<compile_context>
chip_gen: v7x
topology: tpu7x:2x2x1
jax: 0.10.2.dev20260603
libtpu: 0.0.44.dev20260713+nightly
codegen_flags: <defaults>
</compile_context>

<pallas_src>
import numpy as np
import jax
import jax.numpy as jnp
from jax.experimental import pallas as pl
from jax.experimental.pallas import tpu as pltpu

f32 = jnp.float32
bf16 = jnp.bfloat16

B = 1024
BB = 128
GRID = B // BB


def _leaky(x):
    return jnp.where(x >= 0, x, 0.01 * x)


def _ah(S):
    A = np.zeros((3, S, S, 3), np.float32)
    for pp in range(S):
        for dh in range(3):
            p = pp + dh - 1
            if 0 <= p < S:
                A[0, pp, p, dh] = 1.0
    A[1, 0, S - 1, 0] = 1.0
    A[2, S - 1, 0, 2] = 1.0
    return A


def _g(Win, Sw):
    G = np.zeros((3, Sw, Win, Sw * Win), np.float32)
    for jo in range(Win):
        for ei, e in enumerate((0, -1, 1)):
            jin = jo + e
            if not (0 <= jin < Win):
                continue
            for qq in range(Sw):
                G[ei, qq, jin, Sw * jo + qq] = 1.0
    return G


def _pair_band(Wu, Wc, Win, co_major):
    Sh, Sw, Ci, _ = Wu.shape
    WuF = Wu[::-1, ::-1]
    P = jnp.einsum('pqcm,dwmo->pdqwco', WuF, Wc)
    Kc = jnp.einsum('APpd,BQqw,pdqwco->ABPQco', _ah(Sh), _ah(Sw), P)
    spec = 'BQjw,ABPQco->APjcow' if co_major else 'BQjw,ABPQco->APjcwo'
    Band = jnp.einsum(spec, _g(Win, Sw), Kc)
    Co = Wc.shape[3]
    return Band.reshape(3, Sh, Win * Ci, Sw * Win * Co)


def _pair_bias(Wu, Wc, bu, bc, Hin, Win, co_major):
    Sh, Sw = Wu.shape[:2]
    Co = Wc.shape[3]
    Hout, Wout = Sh * Hin, Sw * Win
    Mh = np.zeros((Hout, 3), np.float32)
    Mw = np.zeros((Wout, 3), np.float32)
    for h in range(Hout):
        for dh in range(3):
            if 0 <= h + dh - 1 < Hout:
                Mh[h, dh] = 1.0
    for w in range(Wout):
        for dw in range(3):
            if 0 <= w + dw - 1 < Wout:
                Mw[w, dw] = 1.0
    bw = jnp.einsum('m,dwmo->dwo', bu, Wc)
    Bias = bc[None, None, :] + jnp.einsum('hd,wv,dvo->hwo', Mh, Mw, bw)
    if co_major:
        Bias = Bias.transpose(0, 2, 1)
    return Bias.reshape(Hout, 1, Wout * Co)


_PERM = (np.arange(32)[None, :] * 8 + np.arange(8)[:, None]).reshape(-1)


def _decoder_kernel(lat_ref, wp_ref, bp_ref, b1_ref, a1_ref, b2_ref, a2_ref,
                    b3_ref, a3_ref, out_ref, sA, sB):
    x0 = jnp.dot(lat_ref[...], wp_ref[...], preferred_element_type=f32)
    x0 = _leaky(x0 + bp_ref[...])
    xb = x0.astype(bf16)

    sA[0] = jnp.zeros((BB, 256), bf16)
    sA[6] = jnp.zeros((BB, 256), bf16)
    for pp in range(5):
        y = jnp.dot(xb, b1_ref[pp], preferred_element_type=f32)
        sA[1 + pp] = _leaky(y + a1_ref[pp]).astype(bf16)

    sB[0] = jnp.zeros((BB, 256), bf16)
    sB[26] = jnp.zeros((BB, 256), bf16)
    a0 = sA[pl.ds(1, 5)].reshape(5 * BB, 256)
    am = sA[pl.ds(0, 5)].reshape(5 * BB, 256)
    ap = sA[pl.ds(2, 5)].reshape(5 * BB, 256)
    for pp in range(5):
        y = jnp.dot(a0, b2_ref[0, pp], preferred_element_type=f32)
        if pp == 0:
            y = y + jnp.dot(am, b2_ref[1, 0], preferred_element_type=f32)
        if pp == 4:
            y = y + jnp.dot(ap, b2_ref[2, 4], preferred_element_type=f32)
        y3 = y.reshape(5, BB, 256)
        for io in range(5):
            sB[1 + 5 * io + pp] = _leaky(
                y3[io] + a2_ref[5 * io + pp]).astype(bf16)

    c0 = sB[pl.ds(1, 25)].reshape(25 * BB, 256)
    cm = sB[pl.ds(0, 25)].reshape(25 * BB, 256)
    cp = sB[pl.ds(2, 25)].reshape(25 * BB, 256)
    for pp in range(2):
        y = jnp.dot(c0, b3_ref[0, pp], preferred_element_type=f32)
        if pp == 0:
            y = y + jnp.dot(cm, b3_ref[1, 0], preferred_element_type=f32)
        if pp == 1:
            y = y + jnp.dot(cp, b3_ref[2, 1], preferred_element_type=f32)
        y3 = y.reshape(25, BB, 384)
        for io in range(25):
            out_ref[2 * io + pp] = jnp.maximum(y3[io] + a3_ref[2 * io + pp],
                                               0.0)


def kernel(latent_vector, W_lin, b_lin, W_up1, b_up1, W_c1, b_c1,
           W_up2, b_up2, W_c2, b_c2, W_up3, b_up3, W_c3, b_c3):
    Wp = W_lin.T[:, _PERM].astype(bf16)
    bp = b_lin[_PERM].reshape(1, 256)

    band1 = _pair_band(W_up1, W_c1, 8, False)[0].astype(bf16)
    bias1 = _pair_bias(W_up1, W_c1, b_up1, b_c1, 1, 8, False)
    band2 = _pair_band(W_up2, W_c2, 16, False).astype(bf16)
    bias2 = _pair_bias(W_up2, W_c2, b_up2, b_c2, 5, 16, False)
    band3 = _pair_band(W_up3, W_c3, 32, True).astype(bf16)
    bias3 = _pair_bias(W_up3, W_c3, b_up3, b_c3, 25, 32, True)

    lat = latent_vector.astype(bf16)

    full = lambda shp: pl.BlockSpec(shp, lambda i, s=len(shp): (0,) * s)
    out = pl.pallas_call(
        _decoder_kernel,
        grid=(GRID,),
        in_specs=[
            pl.BlockSpec((BB, 4), lambda i: (i, 0)),
            full((4, 256)), full((1, 256)),
            full((5, 256, 256)), full((5, 1, 256)),
            full((3, 5, 256, 256)), full((25, 1, 256)),
            full((3, 2, 256, 384)), full((50, 1, 384)),
        ],
        out_specs=pl.BlockSpec((50, BB, 384), lambda i: (0, i, 0)),
        out_shape=jax.ShapeDtypeStruct((50, B, 384), f32),
        scratch_shapes=[
            pltpu.VMEM((7, BB, 256), bf16),
            pltpu.VMEM((27, BB, 256), bf16),
        ],
        compiler_params=pltpu.CompilerParams(
            dimension_semantics=("parallel",)),
    )(lat, Wp, bp, band1, bias1, band2, bias2, band3, bias3)

    return out.reshape(50, B, 6, 64).transpose(1, 2, 0, 3)

# --- scband reference (transcript-rebuilt; emitter-appended) ---
"""Pipeline reference for scband-beta-vaemark10-decoder-60224031425238 (READ-ONLY COPY).

The authoritative reference and input builder live on the scoring server;
editing this copy changes nothing except your own understanding.
"""

import jax, jax.numpy as jnp
import numpy as np
from jax import lax

DN = ('NHWC', 'HWIO', 'NHWC')

def leaky_relu(x, slope=0.01):
    return jnp.where(x >= 0, x, slope * x)

def setup_inputs(seed: int = 0):
    key = jax.random.key(seed)
    ks = jax.random.split(key, 16)
    B, latent_dim = 1024, 4
    f32 = jnp.float32
    inp = {}
    inp['latent_vector'] = jax.random.normal(ks[0], (B, latent_dim), dtype=f32)
    inp['W_lin'] = jax.random.normal(ks[1], (256, latent_dim), dtype=f32) * 0.1
    inp['b_lin'] = jax.random.normal(ks[2], (256,), dtype=f32) * 0.01
    inp['W_up1'] = jax.random.normal(ks[3], (5, 2, 32, 32), dtype=f32) * 0.05
    inp['b_up1'] = jax.random.normal(ks[4], (32,), dtype=f32) * 0.01
    inp['W_c1'] = jax.random.normal(ks[5], (3, 3, 32, 16), dtype=f32) * 0.05
    inp['b_c1'] = jax.random.normal(ks[6], (16,), dtype=f32) * 0.01
    inp['W_up2'] = jax.random.normal(ks[7], (5, 2, 16, 16), dtype=f32) * 0.05
    inp['b_up2'] = jax.random.normal(ks[8], (16,), dtype=f32) * 0.01
    inp['W_c2'] = jax.random.normal(ks[9], (3, 3, 16, 8), dtype=f32) * 0.05
    inp['b_c2'] = jax.random.normal(ks[10], (8,), dtype=f32) * 0.01
    inp['W_up3'] = jax.random.normal(ks[11], (2, 2, 8, 8), dtype=f32) * 0.05
    inp['b_up3'] = jax.random.normal(ks[12], (8,), dtype=f32) * 0.01
    inp['W_c3'] = jax.random.normal(ks[13], (3, 3, 8, 6), dtype=f32) * 0.05
    inp['b_c3'] = jax.random.normal(ks[14], (6,), dtype=f32) * 0.01
    return inp

def reference(latent_vector, W_lin, b_lin, W_up1, b_up1, W_c1, b_c1,
              W_up2, b_up2, W_c2, b_c2, W_up3, b_up3, W_c3, b_c3):
    # Linear + leaky_relu
    x = latent_vector @ W_lin.T + b_lin
    x = leaky_relu(x)
    # reshape (-1, 32, 1, 8) then permute to NHWC (B, 1, 8, 32)
    x = jnp.transpose(x.reshape(-1, 32, 1, 8), (0, 2, 3, 1))
    # After leaky_relu virtually all sites are nonzero, so the spconv
    # SparseConvTensor.from_dense grid is fully dense: the sparse convs
    # are mathematically equivalent to dense (transposed) convolutions.
    # unpool1: ConvTranspose kernel (5,2), stride (5,2) -> (B, 5, 16, 32)
    x = lax.conv_transpose(x, W_up1, strides=(5, 2), padding='VALID', dimension_numbers=DN) + b_up1
    # transconv1: SubMConv2d 3x3 (same active sites -> SAME padding conv), 32 -> 16
    x = lax.conv_general_dilated(x, W_c1, window_strides=(1, 1), padding='SAME', dimension_numbers=DN) + b_c1
    x = leaky_relu(x)
    # unpool2: ConvTranspose (5,2) stride (5,2) -> (B, 25, 32, 16)
    x = lax.conv_transpose(x, W_up2, strides=(5, 2), padding='VALID', dimension_numbers=DN) + b_up2
    # transconv2: 3x3 SAME, 16 -> 8
    x = lax.conv_general_dilated(x, W_c2, window_strides=(1, 1), padding='SAME', dimension_numbers=DN) + b_c2
    x = leaky_relu(x)
    # unpool3: ConvTranspose 2x2 stride 2 -> (B, 50, 64, 8)
    x = lax.conv_transpose(x, W_up3, strides=(2, 2), padding='VALID', dimension_numbers=DN) + b_up3
    # transconv3: 3x3 SAME, 8 -> 6, then ReLU
    x = lax.conv_general_dilated(x, W_c3, window_strides=(1, 1), padding='SAME', dimension_numbers=DN) + b_c3
    x = jnp.maximum(x, 0.0)
    # spconv .dense() returns NCHW
    return jnp.transpose(x, (0, 3, 1, 2))

if __name__ == "__main__":
    import jax
    _d = setup_inputs()
    print(jax.jit(kernel)(*tuple(_d.values())))

</pallas_src>

<mosaic_0001>
module attributes {stable_mosaic.version = 14 : i64} {
  func.func @_decoder_kernel(%arg0: i32, %arg1: memref<128x4xbf16, #tpu.memory_space<vmem>>, %arg2: memref<4x256xbf16, #tpu.memory_space<vmem>>, %arg3: memref<1x256xf32, #tpu.memory_space<vmem>>, %arg4: memref<5x256x256xbf16, #tpu.memory_space<vmem>>, %arg5: memref<5x1x256xf32, #tpu.memory_space<vmem>>, %arg6: memref<3x5x256x256xbf16, #tpu.memory_space<vmem>>, %arg7: memref<25x1x256xf32, #tpu.memory_space<vmem>>, %arg8: memref<3x2x256x384xbf16, #tpu.memory_space<vmem>>, %arg9: memref<50x1x384xf32, #tpu.memory_space<vmem>>, %arg10: memref<50x128x384xf32, #tpu.memory_space<vmem>>, %arg11: memref<7x128x256xbf16, #tpu.memory_space<vmem>>, %arg12: memref<27x128x256xbf16, #tpu.memory_space<vmem>>) attributes {dimension_semantics = [#tpu.dimension_semantics<parallel>], iteration_bounds = array<i64: 8>, scalar_prefetch = 0 : i64, scratch_operands = 2 : i64, tpu.core_type = #tpu.core_type<tc>, window_params = [{transform_indices = @transform_0, window_bounds = array<i64: 128, 4>}, {pipeline_mode = #tpu.pipeline_mode<synchronous>, transform_indices = @transform_1, window_bounds = array<i64: 4, 256>}, {pipeline_mode = #tpu.pipeline_mode<synchronous>, transform_indices = @transform_2, window_bounds = array<i64: 1, 256>}, {pipeline_mode = #tpu.pipeline_mode<synchronous>, transform_indices = @transform_3, window_bounds = array<i64: 5, 256, 256>}, {pipeline_mode = #tpu.pipeline_mode<synchronous>, transform_indices = @transform_4, window_bounds = array<i64: 5, 1, 256>}, {pipeline_mode = #tpu.pipeline_mode<synchronous>, transform_indices = @transform_5, window_bounds = array<i64: 3, 5, 256, 256>}, {pipeline_mode = #tpu.pipeline_mode<synchronous>, transform_indices = @transform_6, window_bounds = array<i64: 25, 1, 256>}, {pipeline_mode = #tpu.pipeline_mode<synchronous>, transform_indices = @transform_7, window_bounds = array<i64: 3, 2, 256, 384>}, {pipeline_mode = #tpu.pipeline_mode<synchronous>, transform_indices = @transform_8, window_bounds = array<i64: 50, 1, 384>}, {transform_indices = @transform_9, window_bounds = array<i64: 50, 128, 384>}]} {
    %get3A = arith.constant 0 : index
    %get3A_0 = arith.constant 0 : index
    %get3A_1 = vector.load %arg1[%get3A, %get3A_0] : memref<128x4xbf16, #tpu.memory_space<vmem>>, vector<128x4xbf16>
    %get3A_2 = arith.constant 0 : index
    %get3A_3 = arith.constant 0 : index
    %get3A_4 = vector.load %arg2[%get3A_2, %get3A_3] : memref<4x256xbf16, #tpu.memory_space<vmem>>, vector<4x256xbf16>
    %dot_general3A = arith.constant dense<0.000000e+00> : vector<128x256xf32>
    %dot_general3A_5 = tpu.matmul %get3A_1, %get3A_4, %dot_general3A {dimension_numbers = #tpu.dot_dimension_numbers<[1], [0], [0], [1], [0, 0, 1, 1], [], []>, transpose_lhs_hint = false} : vector<128x4xbf16>, vector<4x256xbf16>, vector<128x256xf32> -> vector<128x256xf32>
    %get3A_6 = arith.constant 0 : index
    %get3A_7 = arith.constant 0 : index
    %get3A_8 = vector.load %arg3[%get3A_6, %get3A_7] : memref<1x256xf32, #tpu.memory_space<vmem>>, vector<1x256xf32>
    %add3A = vector.broadcast %get3A_8 : vector<1x256xf32> to vector<128x256xf32>
    %add3A_9 = arith.addf %dot_general3A_5, %add3A : vector<128x256xf32>
    %ge3A = arith.constant 0.000000e+00 : f32
    %ge3A_10 = vector.broadcast %ge3A : f32 to vector<128x256xf32>
    %ge3A_11 = arith.cmpf oge, %add3A_9, %ge3A_10 : vector<128x256xf32>
    %mul3A = arith.constant 0.00999999977 : f32
    %mul3A_12 = vector.broadcast %mul3A : f32 to vector<128x256xf32>
    %mul3A_13 = arith.mulf %mul3A_12, %add3A_9 : vector<128x256xf32>
    %select_n3A = arith.select %ge3A_11, %add3A_9, %mul3A_13 : vector<128x256xi1>, vector<128x256xf32>
    %convert_element_type3A = arith.truncf %select_n3A : vector<128x256xf32> to vector<128x256xbf16>
    %broadcast_in_dim3A = arith.constant 0.000000e+00 : bf16
    %broadcast_in_dim3A_14 = vector.broadcast %broadcast_in_dim3A : bf16 to vector<128x256xbf16>
    %swap3A = arith.constant 0 : index
    %swap3A_15 = arith.constant 0 : index
    %swap3A_16 = arith.constant 0 : index
    %swap3A_17 = vector.load %arg11[%swap3A, %swap3A_15, %swap3A_16] : memref<7x128x256xbf16, #tpu.memory_space<vmem>>, vector<1x128x256xbf16>
    %swap3A_18 = vector.shape_cast %swap3A_17 : vector<1x128x256xbf16> to vector<128x256xbf16>
    %swap3A_19 = vector.shape_cast %broadcast_in_dim3A_14 : vector<128x256xbf16> to vector<1x128x256xbf16>
    tpu.vector_store %arg11[%swap3A, %swap3A_15, %swap3A_16], %swap3A_19 {strides = array<i32>} : memref<7x128x256xbf16, #tpu.memory_space<vmem>>, vector<1x128x256xbf16>,
    %broadcast_in_dim3A_20 = arith.constant 0.000000e+00 : bf16
    %broadcast_in_dim3A_21 = vector.broadcast %broadcast_in_dim3A_20 : bf16 to vector<128x256xbf16>
    %swap3A_22 = arith.constant 6 : index
    %swap3A_23 = arith.constant 0 : index
    %swap3A_24 = arith.constant 0 : index
    %swap3A_25 = vector.load %arg11[%swap3A_22, %swap3A_23, %swap3A_24] : memref<7x128x256xbf16, #tpu.memory_space<vmem>>, vector<1x128x256xbf16>
    %swap3A_26 = vector.shape_cast %swap3A_25 : vector<1x128x256xbf16> to vector<128x256xbf16>
    %swap3A_27 = vector.shape_cast %broadcast_in_dim3A_21 : vector<128x256xbf16> to vector<1x128x256xbf16>
    tpu.vector_store %arg11[%swap3A_22, %swap3A_23, %swap3A_24], %swap3A_27 {strides = array<i32>} : memref<7x128x256xbf16, #tpu.memory_space<vmem>>, vector<1x128x256xbf16>,
    %get3A_28 = arith.constant 0 : index
    %get3A_29 = arith.constant 0 : index
    %get3A_30 = arith.constant 0 : index
    %get3A_31 = vector.load %arg4[%get3A_28, %get3A_29, %get3A_30] : memref<5x256x256xbf16, #tpu.memory_space<vmem>>, vector<1x256x256xbf16>
    %get3A_32 = vector.shape_cast %get3A_31 : vector<1x256x256xbf16> to vector<256x256xbf16>
    %dot_general3A_33 = arith.constant dense<0.000000e+00> : vector<128x256xf32>
    %dot_general3A_34 = tpu.matmul %convert_element_type3A, %get3A_32, %dot_general3A_33 {dimension_numbers = #tpu.dot_dimension_numbers<[1], [0], [0], [1], [0, 0, 1, 1], [], []>, transpose_lhs_hint = false} : vector<128x256xbf16>, vector<256x256xbf16>, vector<128x256xf32> -> vector<128x256xf32>
    %get3A_35 = arith.constant 0 : index
    %get3A_36 = arith.constant 0 : index
    %get3A_37 = arith.constant 0 : index
    %get3A_38 = vector.load %arg5[%get3A_35, %get3A_36, %get3A_37] : memref<5x1x256xf32, #tpu.memory_space<vmem>>, vector<1x1x256xf32>
    %get3A_39 = vector.shape_cast %get3A_38 : vector<1x1x256xf32> to vector<1x256xf32>
    %add3A_40 = vector.broadcast %get3A_39 : vector<1x256xf32> to vector<128x256xf32>
    %add3A_41 = arith.addf %dot_general3A_34, %add3A_40 : vector<128x256xf32>
    %ge3A_42 = arith.constant 0.000000e+00 : f32
    %ge3A_43 = vector.broadcast %ge3A_42 : f32 to vector<128x256xf32>
    %ge3A_44 = arith.cmpf oge, %add3A_41, %ge3A_43 : vector<128x256xf32>
    %mul3A_45 = arith.constant 0.00999999977 : f32
    %mul3A_46 = vector.broadcast %mul3A_45 : f32 to vector<128x256xf32>
    %mul3A_47 = arith.mulf %mul3A_46, %add3A_41 : vector<128x256xf32>
    %select_n3A_48 = arith.select %ge3A_44, %add3A_41, %mul3A_47 : vector<128x256xi1>, vector<128x256xf32>
    %convert_element_type3A_49 = arith.truncf %select_n3A_48 : vector<128x256xf32> to vector<128x256xbf16>
    %swap3A_50 = arith.constant 1 : index
    %swap3A_51 = arith.constant 0 : index
    %swap3A_52 = arith.constant 0 : index
    %swap3A_53 = vector.load %arg11[%swap3A_50, %swap3A_51, %swap3A_52] : memref<7x128x256xbf16, #tpu.memory_space<vmem>>, vector<1x128x256xbf16>
    %swap3A_54 = vector.shape_cast %swap3A_53 : vector<1x128x256xbf16> to vector<128x256xbf16>
    %swap3A_55 = vector.shape_cast %convert_element_type3A_49 : vector<128x256xbf16> to vector<1x128x256xbf16>
    tpu.vector_store %arg11[%swap3A_50, %swap3A_51, %swap3A_52], %swap3A_55 {strides = array<i32>} : memref<7x128x256xbf16, #tpu.memory_space<vmem>>, vector<1x128x256xbf16>,
    %get3A_56 = arith.constant 1 : index
    %get3A_57 = arith.constant 0 : index
    %get3A_58 = arith.constant 0 : index
    %get3A_59 = vector.load %arg4[%get3A_56, %get3A_57, %get3A_58] : memref<5x256x256xbf16, #tpu.memory_space<vmem>>, vector<1x256x256xbf16>
    %get3A_60 = vector.shape_cast %get3A_59 : vector<1x256x256xbf16> to vector<256x256xbf16>
    %dot_general3A_61 = arith.constant dense<0.000000e+00> : vector<128x256xf32>
    %dot_general3A_62 = tpu.matmul %convert_element_type3A, %get3A_60, %dot_general3A_61 {dimension_numbers = #tpu.dot_dimension_numbers<[1], [0], [0], [1], [0, 0, 1, 1], [], []>, transpose_lhs_hint = false} : vector<128x256xbf16>, vector<256x256xbf16>, vector<128x256xf32> -> vector<128x256xf32>
    %get3A_63 = arith.constant 1 : index
    %get3A_64 = arith.constant 0 : index
    %get3A_65 = arith.constant 0 : index
    %get3A_66 = vector.load %arg5[%get3A_63, %get3A_64, %get3A_65] : memref<5x1x256xf32, #tpu.memory_space<vmem>>, vector<1x1x256xf32>
    %get3A_67 = vector.shape_cast %get3A_66 : vector<1x1x256xf32> to vector<1x256xf32>
    %add3A_68 = vector.broadcast %get3A_67 : vector<1x256xf32> to vector<128x256xf32>
    %add3A_69 = arith.addf %dot_general3A_62, %add3A_68 : vector<128x256xf32>
    %ge3A_70 = arith.constant 0.000000e+00 : f32
    %ge3A_71 = vector.broadcast %ge3A_70 : f32 to vector<128x256xf32>
    %ge3A_72 = arith.cmpf oge, %add3A_69, %ge3A_71 : vector<128x256xf32>
    %mul3A_73 = arith.constant 0.00999999977 : f32
    %mul3A_74 = vector.broadcast %mul3A_73 : f32 to vector<128x256xf32>
    %mul3A_75 = arith.mulf %mul3A_74, %add3A_69 : vector<128x256xf32>
    %select_n3A_76 = arith.select %ge3A_72, %add3A_69, %mul3A_75 : vector<128x256xi1>, vector<128x256xf32>
    %convert_element_type3A_77 = arith.truncf %select_n3A_76 : vector<128x256xf32> to vector<128x256xbf16>
    %swap3A_78 = arith.constant 2 : index
    %swap3A_79 = arith.constant 0 : index
    %swap3A_80 = arith.constant 0 : index
    %swap3A_81 = vector.load %arg11[%swap3A_78, %swap3A_79, %swap3A_80] : memref<7x128x256xbf16, #tpu.memory_space<vmem>>, vector<1x128x256xbf16>
    %swap3A_82 = vector.shape_cast %swap3A_81 : vector<1x128x256xbf16> to vector<128x256xbf16>
    %swap3A_83 = vector.shape_cast %convert_element_type3A_77 : vector<128x256xbf16> to vector<1x128x256xbf16>
    tpu.vector_store %arg11[%swap3A_78, %swap3A_79, %swap3A_80], %swap3A_83 {strides = array<i32>} : memref<7x128x256xbf16, #tpu.memory_space<vmem>>, vector<1x128x256xbf16>,
    %get3A_84 = arith.constant 2 : index
    %get3A_85 = arith.constant 0 : index
    %get3A_86 = arith.constant 0 : index
    %get3A_87 = vector.load %arg4[%get3A_84, %get3A_85, %get3A_86] : memref<5x256x256xbf16, #tpu.memory_space<vmem>>, vector<1x256x256xbf16>
    %get3A_88 = vector.shape_cast %get3A_87 : vector<1x256x256xbf16> to vector<256x256xbf16>
    %dot_general3A_89 = arith.constant dense<0.000000e+00> : vector<128x256xf32>
    %dot_general3A_90 = tpu.matmul %convert_element_type3A, %get3A_88, %dot_general3A_89 {dimension_numbers = #tpu.dot_dimension_numbers<[1], [0], [0], [1], [0, 0, 1, 1], [], []>, transpose_lhs_hint = false} : vector<128x256xbf16>, vector<256x256xbf16>, vector<128x256xf32> -> vector<128x256xf32>
    %get3A_91 = arith.constant 2 : index
    %get3A_92 = arith.constant 0 : index
    %get3A_93 = arith.constant 0 : index
    %get3A_94 = vector.load %arg5[%get3A_91, %get3A_92, %get3A_93] : memref<5x1x256xf32, #tpu.memory_space<vmem>>, vector<1x1x256xf32>
    %get3A_95 = vector.shape_cast %get3A_94 : vector<1x1x256xf32> to vector<1x256xf32>
    %add3A_96 = vector.broadcast %get3A_95 : vector<1x256xf32> to vector<128x256xf32>
    %add3A_97 = arith.addf %dot_general3A_90, %add3A_96 : vector<128x256xf32>
    %ge3A_98 = arith.constant 0.000000e+00 : f32
    %ge3A_99 = vector.broadcast %ge3A_98 : f32 to vector<128x256xf32>
    %ge3A_100 = arith.cmpf oge, %add3A_97, %ge3A_99 : vector<128x256xf32>
    %mul3A_101 = arith.constant 0.00999999977 : f32
    %mul3A_102 = vector.broadcast %mul3A_101 : f32 to vector<128x256xf32>
    %mul3A_103 = arith.mulf %mul3A_102, %add3A_97 : vector<128x256xf32>
    %select_n3A_104 = arith.select %ge3A_100, %add3A_97, %mul3A_103 : vector<128x256xi1>, vector<128x256xf32>
    %convert_element_type3A_105 = arith.truncf %select_n3A_104 : vector<128x256xf32> to vector<128x256xbf16>
    %swap3A_106 = arith.constant 3 : index
    %swap3A_107 = arith.constant 0 : index
    %swap3A_108 = arith.constant 0 : index
    %swap3A_109 = vector.load %arg11[%swap3A_106, %swap3A_107, %swap3A_108] : memref<7x128x256xbf16, #tpu.memory_space<vmem>>, vector<1x128x256xbf16>
    %swap3A_110 = vector.shape_cast %swap3A_109 : vector<1x128x256xbf16> to vector<128x256xbf16>
    %swap3A_111 = vector.shape_cast %convert_element_type3A_105 : vector<128x256xbf16> to vector<1x128x256xbf16>
    tpu.vector_store %arg11[%swap3A_106, %swap3A_107, %swap3A_108], %swap3A_111 {strides = array<i32>} : memref<7x128x256xbf16, #tpu.memory_space<vmem>>, vector<1x128x256xbf16>,
    %get3A_112 = arith.constant 3 : index
    %get3A_113 = arith.constant 0 : index
    %get3A_114 = arith.constant 0 : index
    %get3A_115 = vector.load %arg4[%get3A_112, %get3A_113, %get3A_114] : memref<5x256x256xbf16, #tpu.memory_space<vmem>>, vector<1x256x256xbf16>
    %get3A_116 = vector.shape_cast %get3A_115 : vector<1x256x256xbf16> to vector<256x256xbf16>
    %dot_general3A_117 = arith.constant dense<0.000000e+00> : vector<128x256xf32>
    %dot_general3A_118 = tpu.matmul %convert_element_type3A, %get3A_116, %dot_general3A_117 {dimension_numbers = #tpu.dot_dimension_numbers<[1], [0], [0], [1], [0, 0, 1, 1], [], []>, transpose_lhs_hint = false} : vector<128x256xbf16>, vector<256x256xbf16>, vector<128x256xf32> -> vector<128x256xf32>
    %get3A_119 = arith.constant 3 : index
    %get3A_120 = arith.constant 0 : index
    %get3A_121 = arith.constant 0 : index
    %get3A_122 = vector.load %arg5[%get3A_119, %get3A_120, %get3A_121] : memref<5x1x256xf32, #tpu.memory_space<vmem>>, vector<1x1x256xf32>
    %get3A_123 = vector.shape_cast %get3A_122 : vector<1x1x256xf32> to vector<1x256xf32>
    %add3A_124 = vector.broadcast %get3A_123 : vector<1x256xf32> to vector<128x256xf32>
    %add3A_125 = arith.addf %dot_general3A_118, %add3A_124 : vector<128x256xf32>
    %ge3A_126 = arith.constant 0.000000e+00 : f32
    %ge3A_127 = vector.broadcast %ge3A_126 : f32 to vector<128x256xf32>
    %ge3A_128 = arith.cmpf oge, %add3A_125, %ge3A_127 : vector<128x256xf32>
    %mul3A_129 = arith.constant 0.00999999977 : f32
    %mul3A_130 = vector.broadcast %mul3A_129 : f32 to vector<128x256xf32>
    %mul3A_131 = arith.mulf %mul3A_130, %add3A_125 : vector<128x256xf32>
    %select_n3A_132 = arith.select %ge3A_128, %add3A_125, %mul3A_131 : vector<128x256xi1>, vector<128x256xf32>
    %convert_element_type3A_133 = arith.truncf %select_n3A_132 : vector<128x256xf32> to vector<128x256xbf16>
    %swap3A_134 = arith.constant 4 : index
    %swap3A_135 = arith.constant 0 : index
    %swap3A_136 = arith.constant 0 : index
    %swap3A_137 = vector.load %arg11[%swap3A_134, %swap3A_135, %swap3A_136] : memref<7x128x256xbf16, #tpu.memory_space<vmem>>, vector<1x128x256xbf16>
    %swap3A_138 = vector.shape_cast %swap3A_137 : vector<1x128x256xbf16> to vector<128x256xbf16>
    %swap3A_139 = vector.shape_cast %convert_element_type3A_133 : vector<128x256xbf16> to vector<1x128x256xbf16>
    tpu.vector_store %arg11[%swap3A_134, %swap3A_135, %swap3A_136], %swap3A_139 {strides = array<i32>} : memref<7x128x256xbf16, #tpu.memory_space<vmem>>, vector<1x128x256xbf16>,
    %get3A_140 = arith.constant 4 : index
    %get3A_141 = arith.constant 0 : index
    %get3A_142 = arith.constant 0 : index
    %get3A_143 = vector.load %arg4[%get3A_140, %get3A_141, %get3A_142] : memref<5x256x256xbf16, #tpu.memory_space<vmem>>, vector<1x256x256xbf16>
    %get3A_144 = vector.shape_cast %get3A_143 : vector<1x256x256xbf16> to vector<256x256xbf16>
    %dot_general3A_145 = arith.constant dense<0.000000e+00> : vector<128x256xf32>
    %dot_general3A_146 = tpu.matmul %convert_element_type3A, %get3A_144, %dot_general3A_145 {dimension_numbers = #tpu.dot_dimension_numbers<[1], [0], [0], [1], [0, 0, 1, 1], [], []>, transpose_lhs_hint = false} : vector<128x256xbf16>, vector<256x256xbf16>, vector<128x256xf32> -> vector<128x256xf32>
    %get3A_147 = arith.constant 4 : index
    %get3A_148 = arith.constant 0 : index
    %get3A_149 = arith.constant 0 : index
    %get3A_150 = vector.load %arg5[%get3A_147, %get3A_148, %get3A_149] : memref<5x1x256xf32, #tpu.memory_space<vmem>>, vector<1x1x256xf32>
    %get3A_151 = vector.shape_cast %get3A_150 : vector<1x1x256xf32> to vector<1x256xf32>
    %add3A_152 = vector.broadcast %get3A_151 : vector<1x256xf32> to vector<128x256xf32>
    %add3A_153 = arith.addf %dot_general3A_146, %add3A_152 : vector<128x256xf32>
    %ge3A_154 = arith.constant 0.000000e+00 : f32
    %ge3A_155 = vector.broadcast %ge3A_154 : f32 to vector<128x256xf32>
    %ge3A_156 = arith.cmpf oge, %add3A_153, %ge3A_155 : vector<128x256xf32>
    %mul3A_157 = arith.constant 0.00999999977 : f32
    %mul3A_158 = vector.broadcast %mul3A_157 : f32 to vector<128x256xf32>
    %mul3A_159 = arith.mulf %mul3A_158, %add3A_153 : vector<128x256xf32>
    %select_n3A_160 = arith.select %ge3A_156, %add3A_153, %mul3A_159 : vector<128x256xi1>, vector<128x256xf32>
    %convert_element_type3A_161 = arith.truncf %select_n3A_160 : vector<128x256xf32> to vector<128x256xbf16>
    %swap3A_162 = arith.constant 5 : index
    %swap3A_163 = arith.constant 0 : index
    %swap3A_164 = arith.constant 0 : index
    %swap3A_165 = vector.load %arg11[%swap3A_162, %swap3A_163, %swap3A_164] : memref<7x128x256xbf16, #tpu.memory_space<vmem>>, vector<1x128x256xbf16>
    %swap3A_166 = vector.shape_cast %swap3A_165 : vector<1x128x256xbf16> to vector<128x256xbf16>
    %swap3A_167 = vector.shape_cast %convert_element_type3A_161 : vector<128x256xbf16> to vector<1x128x256xbf16>
    tpu.vector_store %arg11[%swap3A_162, %swap3A_163, %swap3A_164], %swap3A_167 {strides = array<i32>} : memref<7x128x256xbf16, #tpu.memory_space<vmem>>, vector<1x128x256xbf16>,
    %broadcast_in_dim3A_168 = arith.constant 0.000000e+00 : bf16
    %broadcast_in_dim3A_169 = vector.broadcast %broadcast_in_dim3A_168 : bf16 to vector<128x256xbf16>
    %swap3A_170 = arith.constant 0 : index
    %swap3A_171 = arith.constant 0 : index
    %swap3A_172 = arith.constant 0 : index
    %swap3A_173 = vector.load %arg12[%swap3A_170, %swap3A_171, %swap3A_172] : memref<27x128x256xbf16, #tpu.memory_space<vmem>>, vector<1x128x256xbf16>
    %swap3A_174 = vector.shape_cast %swap3A_173 : vector<1x128x256xbf16> to vector<128x256xbf16>
    %swap3A_175 = vector.shape_cast %broadcast_in_dim3A_169 : vector<128x256xbf16> to vector<1x128x256xbf16>
    tpu.vector_store %arg12[%swap3A_170, %swap3A_171, %swap3A_172], %swap3A_175 {strides = array<i32>} : memref<27x128x256xbf16, #tpu.memory_space<vmem>>, vector<1x128x256xbf16>,
    %broadcast_in_dim3A_176 = arith.constant 0.000000e+00 : bf16
    %broadcast_in_dim3A_177 = vector.broadcast %broadcast_in_dim3A_176 : bf16 to vector<128x256xbf16>
    %swap3A_178 = arith.constant 26 : index
    %swap3A_179 = arith.constant 0 : index
    %swap3A_180 = arith.constant 0 : index
    %swap3A_181 = vector.load %arg12[%swap3A_178, %swap3A_179, %swap3A_180] : memref<27x128x256xbf16, #tpu.memory_space<vmem>>, vector<1x128x256xbf16>
    %swap3A_182 = vector.shape_cast %swap3A_181 : vector<1x128x256xbf16> to vector<128x256xbf16>
    %swap3A_183 = vector.shape_cast %broadcast_in_dim3A_177 : vector<128x256xbf16> to vector<1x128x256xbf16>
    tpu.vector_store %arg12[%swap3A_178, %swap3A_179, %swap3A_180], %swap3A_183 {strides = array<i32>} : memref<27x128x256xbf16, #tpu.memory_space<vmem>>, vector<1x128x256xbf16>,
    %get3A_184 = arith.constant 1 : index
    %get3A_185 = arith.constant 0 : index
    %get3A_186 = arith.constant 0 : index
    %get3A_187 = vector.load %arg11[%get3A_184, %get3A_185, %get3A_186] : memref<7x128x256xbf16, #tpu.memory_space<vmem>>, vector<5x128x256xbf16>
    %reshape3A = vector.shape_cast %get3A_187 : vector<5x128x256xbf16> to vector<640x256xbf16>
    %get3A_188 = arith.constant 0 : index
    %get3A_189 = arith.constant 0 : index
    %get3A_190 = arith.constant 0 : index
    %get3A_191 = vector.load %arg11[%get3A_188, %get3A_189, %get3A_190] : memref<7x128x256xbf16, #tpu.memory_space<vmem>>, vector<5x128x256xbf16>
    %reshape3A_192 = vector.shape_cast %get3A_191 : vector<5x128x256xbf16> to vector<640x256xbf16>
    %get3A_193 = arith.constant 2 : index
    %get3A_194 = arith.constant 0 : index
    %get3A_195 = arith.constant 0 : index
    %get3A_196 = vector.load %arg11[%get3A_193, %get3A_194, %get3A_195] : memref<7x128x256xbf16, #tpu.memory_space<vmem>>, vector<5x128x256xbf16>
    %reshape3A_197 = vector.shape_cast %get3A_196 : vector<5x128x256xbf16> to vector<640x256xbf16>
    %get3A_198 = arith.constant 0 : index
    %get3A_199 = arith.constant 0 : index
    %get3A_200 = arith.constant 0 : index
    %get3A_201 = arith.constant 0 : index
    %get3A_202 = vector.load %arg6[%get3A_198, %get3A_199, %get3A_200, %get3A_201] : memref<3x5x256x256xbf16, #tpu.memory_space<vmem>>, vector<1x1x256x256xbf16>
    %get3A_203 = vector.shape_cast %get3A_202 : vector<1x1x256x256xbf16> to vector<256x256xbf16>
    %dot_general3A_204 = arith.constant dense<0.000000e+00> : vector<640x256xf32>
    %dot_general3A_205 = tpu.matmul %reshape3A, %get3A_203, %dot_general3A_204 {dimension_numbers = #tpu.dot_dimension_numbers<[1], [0], [0], [1], [0, 0, 1, 1], [], []>, transpose_lhs_hint = false} : vector<640x256xbf16>, vector<256x256xbf16>, vector<640x256xf32> -> vector<640x256xf32>
    %get3A_206 = arith.constant 1 : index
    %get3A_207 = arith.constant 0 : index
    %get3A_208 = arith.constant 0 : index
    %get3A_209 = arith.constant 0 : index
    %get3A_210 = vector.load %arg6[%get3A_206, %get3A_207, %get3A_208, %get3A_209] : memref<3x5x256x256xbf16, #tpu.memory_space<vmem>>, vector<1x1x256x256xbf16>
    %get3A_211 = vector.shape_cast %get3A_210 : vector<1x1x256x256xbf16> to vector<256x256xbf16>
    %dot_general3A_212 = arith.constant dense<0.000000e+00> : vector<640x256xf32>
    %dot_general3A_213 = tpu.matmul %reshape3A_192, %get3A_211, %dot_general3A_212 {dimension_numbers = #tpu.dot_dimension_numbers<[1], [0], [0], [1], [0, 0, 1, 1], [], []>, transpose_lhs_hint = false} : vector<640x256xbf16>, vector<256x256xbf16>, vector<640x256xf32> -> vector<640x256xf32>
    %add3A_214 = arith.addf %dot_general3A_205, %dot_general3A_213 : vector<640x256xf32>
    %reshape3A_215 = vector.shape_cast %add3A_214 : vector<640x256xf32> to vector<5x128x256xf32>
    %slice3A = vector.extract_strided_slice %reshape3A_215 {offsets = [0, 0, 0], sizes = [1, 128, 256], strides = [1, 1, 1]} : vector<5x128x256xf32> to vector<1x128x256xf32>
    %squeeze3A = vector.shape_cast %slice3A : vector<1x128x256xf32> to vector<128x256xf32>
    %get3A_216 = arith.constant 0 : index
    %get3A_217 = arith.constant 0 : index
    %get3A_218 = arith.constant 0 : index
    %get3A_219 = vector.load %arg7[%get3A_216, %get3A_217, %get3A_218] : memref<25x1x256xf32, #tpu.memory_space<vmem>>, vector<1x1x256xf32>
    %get3A_220 = vector.shape_cast %get3A_219 : vector<1x1x256xf32> to vector<1x256xf32>
    %add3A_221 = vector.broadcast %get3A_220 : vector<1x256xf32> to vector<128x256xf32>
    %add3A_222 = arith.addf %squeeze3A, %add3A_221 : vector<128x256xf32>
    %ge3A_223 = arith.constant 0.000000e+00 : f32
    %ge3A_224 = vector.broadcast %ge3A_223 : f32 to vector<128x256xf32>
    %ge3A_225 = arith.cmpf oge, %add3A_222, %ge3A_224 : vector<128x256xf32>
    %mul3A_226 = arith.constant 0.00999999977 : f32
    %mul3A_227 = vector.broadcast %mul3A_226 : f32 to vector<128x256xf32>
    %mul3A_228 = arith.mulf %mul3A_227, %add3A_222 : vector<128x256xf32>
    %select_n3A_229 = arith.select %ge3A_225, %add3A_222, %mul3A_228 : vector<128x256xi1>, vector<128x256xf32>
    %convert_element_type3A_230 = arith.truncf %select_n3A_229 : vector<128x256xf32> to vector<128x256xbf16>
    %swap3A_231 = arith.constant 1 : index
    %swap3A_232 = arith.constant 0 : index
    %swap3A_233 = arith.constant 0 : index
    %swap3A_234 = vector.load %arg12[%swap3A_231, %swap3A_232, %swap3A_233] : memref<27x128x256xbf16, #tpu.memory_space<vmem>>, vector<1x128x256xbf16>
    %swap3A_235 = vector.shape_cast %swap3A_234 : vector<1x128x256xbf16> to vector<128x256xbf16>
    %swap3A_236 = vector.shape_cast %convert_element_type3A_230 : vector<128x256xbf16> to vector<1x128x256xbf16>
    tpu.vector_store %arg12[%swap3A_231, %swap3A_232, %swap3A_233], %swap3A_236 {strides = array<i32>} : memref<27x128x256xbf16, #tpu.memory_space<vmem>>, vector<1x128x256xbf16>,
    %slice3A_237 = vector.extract_strided_slice %reshape3A_215 {offsets = [1, 0, 0], sizes = [1, 128, 256], strides = [1, 1, 1]} : vector<5x128x256xf32> to vector<1x128x256xf32>
    %squeeze3A_238 = vector.shape_cast %slice3A_237 : vector<1x128x256xf32> to vector<128x256xf32>
    %get3A_239 = arith.constant 5 : index
    %get3A_240 = arith.constant 0 : index
    %get3A_241 = arith.constant 0 : index
    %get3A_242 = vector.load %arg7[%get3A_239, %get3A_240, %get3A_241] : memref<25x1x256xf32, #tpu.memory_space<vmem>>, vector<1x1x256xf32>
    %get3A_243 = vector.shape_cast %get3A_242 : vector<1x1x256xf32> to vector<1x256xf32>
    %add3A_244 = vector.broadcast %get3A_243 : vector<1x256xf32> to vector<128x256xf32>
    %add3A_245 = arith.addf %squeeze3A_238, %add3A_244 : vector<128x256xf32>
    %ge3A_246 = arith.constant 0.000000e+00 : f32
    %ge3A_247 = vector.broadcast %ge3A_246 : f32 to vector<128x256xf32>
    %ge3A_248 = arith.cmpf oge, %add3A_245, %ge3A_247 : vector<128x256xf32>
    %mul3A_249 = arith.constant 0.00999999977 : f32
    %mul3A_250 = vector.broadcast %mul3A_249 : f32 to vector<128x256xf32>
    %mul3A_251 = arith.mulf %mul3A_250, %add3A_245 : vector<128x256xf32>
    %select_n3A_252 = arith.select %ge3A_248, %add3A_245, %mul3A_251 : vector<128x256xi1>, vector<128x256xf32>
    %convert_element_type3A_253 = arith.truncf %select_n3A_252 : vector<128x256xf32> to vector<128x256xbf16>
    %swap3A_254 = arith.constant 6 : index
    %swap3A_255 = arith.constant 0 : index
    %swap3A_256 = arith.constant 0 : index
    %swap3A_257 = vector.load %arg12[%swap3A_254, %swap3A_255, %swap3A_256] : memref<27x128x256xbf16, #tpu.memory_space<vmem>>, vector<1x128x256xbf16>
    %swap3A_258 = vector.shape_cast %swap3A_257 : vector<1x128x256xbf16> to vector<128x256xbf16>
    %swap3A_259 = vector.shape_cast %convert_element_type3A_253 : vector<128x256xbf16> to vector<1x128x256xbf16>
    tpu.vector_store %arg12[%swap3A_254, %swap3A_255, %swap3A_256], %swap3A_259 {strides = array<i32>} : memref<27x128x256xbf16, #tpu.memory_space<vmem>>, vector<1x128x256xbf16>,
    %slice3A_260 = vector.extract_strided_slice %reshape3A_215 {offsets = [2, 0, 0], sizes = [1, 128, 256], strides = [1, 1, 1]} : vector<5x128x256xf32> to vector<1x128x256xf32>
    %squeeze3A_261 = vector.shape_cast %slice3A_260 : vector<1x128x256xf32> to vector<128x256xf32>
    %get3A_262 = arith.constant 10 : index
    %get3A_263 = arith.constant 0 : index
    %get3A_264 = arith.constant 0 : index
    %get3A_265 = vector.load %arg7[%get3A_262, %get3A_263, %get3A_264] : memref<25x1x256xf32, #tpu.memory_space<vmem>>, vector<1x1x256xf32>
    %get3A_266 = vector.shape_cast %get3A_265 : vector<1x1x256xf32> to vector<1x256xf32>
    %add3A_267 = vector.broadcast %get3A_266 : vector<1x256xf32> to vector<128x256xf32>
    %add3A_268 = arith.addf %squeeze3A_261, %add3A_267 : vector<128x256xf32>
    %ge3A_269 = arith.constant 0.000000e+00 : f32
    %ge3A_270 = vector.broadcast %ge3A_269 : f32 to vector<128x256xf32>
    %ge3A_271 = arith.cmpf oge, %add3A_268, %ge3A_270 : vector<128x256xf32>
    %mul3A_272 = arith.constant 0.00999999977 : f32
    %mul3A_273 = vector.broadcast %mul3A_272 : f32 to vector<128x256xf32>
    %mul3A_274 = arith.mulf %mul3A_273, %add3A_268 : vector<128x256xf32>
    %select_n3A_275 = arith.select %ge3A_271, %add3A_268, %mul3A_274 : vector<128x256xi1>, vector<128x256xf32>
    %convert_element_type3A_276 = arith.truncf %select_n3A_275 : vector<128x256xf32> to vector<128x256xbf16>
    %swap3A_277 = arith.constant 11 : index
    %swap3A_278 = arith.constant 0 : index
    %swap3A_279 = arith.constant 0 : index
    %swap3A_280 = vector.load %arg12[%swap3A_277, %swap3A_278, %swap3A_279] : memref<27x128x256xbf16, #tpu.memory_space<vmem>>, vector<1x128x256xbf16>
    %swap3A_281 = vector.shape_cast %swap3A_280 : vector<1x128x256xbf16> to vector<128x256xbf16>
    %swap3A_282 = vector.shape_cast %convert_element_type3A_276 : vector<128x256xbf16> to vector<1x128x256xbf16>
    tpu.vector_store %arg12[%swap3A_277, %swap3A_278, %swap3A_279], %swap3A_282 {strides = array<i32>} : memref<27x128x256xbf16, #tpu.memory_space<vmem>>, vector<1x128x256xbf16>,
    %slice3A_283 = vector.extract_strided_slice %reshape3A_215 {offsets = [3, 0, 0], sizes = [1, 128, 256], strides = [1, 1, 1]} : vector<5x128x256xf32> to vector<1x128x256xf32>
    %squeeze3A_284 = vector.shape_cast %slice3A_283 : vector<1x128x256xf32> to vector<128x256xf32>
    %get3A_285 = arith.constant 15 : index
    %get3A_286 = arith.constant 0 : index
    %get3A_287 = arith.constant 0 : index
    %get3A_288 = vector.load %arg7[%get3A_285, %get3A_286, %get3A_287] : memref<25x1x256xf32, #tpu.memory_space<vmem>>, vector<1x1x256xf32>
    %get3A_289 = vector.shape_cast %get3A_288 : vector<1x1x256xf32> to vector<1x256xf32>
    %add3A_290 = vector.broadcast %get3A_289 : vector<1x256xf32> to vector<128x256xf32>
    %add3A_291 = arith.addf %squeeze3A_284, %add3A_290 : vector<128x256xf32>
    %ge3A_292 = arith.constant 0.000000e+00 : f32
    %ge3A_293 = vector.broadcast %ge3A_292 : f32 to vector<128x256xf32>
    %ge3A_294 = arith.cmpf oge, %add3A_291, %ge3A_293 : vector<128x256xf32>
    %mul3A_295 = arith.constant 0.00999999977 : f32
    %mul3A_296 = vector.broadcast %mul3A_295 : f32 to vector<128x256xf32>
    %mul3A_297 = arith.mulf %mul3A_296, %add3A_291 : vector<128x256xf32>
    %select_n3A_298 = arith.select %ge3A_294, %add3A_291, %mul3A_297 : vector<128x256xi1>, vector<128x256xf32>
    %convert_element_type3A_299 = arith.truncf %select_n3A_298 : vector<128x256xf32> to vector<128x256xbf16>
    %swap3A_300 = arith.constant 16 : index
    %swap3A_301 = arith.constant 0 : index
    %swap3A_302 = arith.constant 0 : index
    %swap3A_303 = vector.load %arg12[%swap3A_300, %swap3A_301, %swap3A_302] : memref<27x128x256xbf16, #tpu.memory_space<vmem>>, vector<1x128x256xbf16>
    %swap3A_304 = vector.shape_cast %swap3A_303 : vector<1x128x256xbf16> to vector<128x256xbf16>
    %swap3A_305 = vector.shape_cast %convert_element_type3A_299 : vector<128x256xbf16> to vector<1x128x256xbf16>
    tpu.vector_store %arg12[%swap3A_300, %swap3A_301, %swap3A_302], %swap3A_305 {strides = array<i32>} : memref<27x128x256xbf16, #tpu.memory_space<vmem>>, vector<1x128x256xbf16>,
    %slice3A_306 = vector.extract_strided_slice %reshape3A_215 {offsets = [4, 0, 0], sizes = [1, 128, 256], strides = [1, 1, 1]} : vector<5x128x256xf32> to vector<1x128x256xf32>
    %squeeze3A_307 = vector.shape_cast %slice3A_306 : vector<1x128x256xf32> to vector<128x256xf32>
    %get3A_308 = arith.constant 20 : index
    %get3A_309 = arith.constant 0 : index
    %get3A_310 = arith.constant 0 : index
    %get3A_311 = vector.load %arg7[%get3A_308, %get3A_309, %get3A_310] : memref<25x1x256xf32, #tpu.memory_space<vmem>>, vector<1x1x256xf32>
    %get3A_312 = vector.shape_cast %get3A_311 : vector<1x1x256xf32> to vector<1x256xf32>
    %add3A_313 = vector.broadcast %get3A_312 : vector<1x256xf32> to vector<128x256xf32>
    %add3A_314 = arith.addf %squeeze3A_307, %add3A_313 : vector<128x256xf32>
    %ge3A_315 = arith.constant 0.000000e+00 : f32
    %ge3A_316 = vector.broadcast %ge3A_315 : f32 to vector<128x256xf32>
    %ge3A_317 = arith.cmpf oge, %add3A_314, %ge3A_316 : vector<128x256xf32>
    %mul3A_318 = arith.constant 0.00999999977 : f32
    %mul3A_319 = vector.broadcast %mul3A_318 : f32 to vector<128x256xf32>
    %mul3A_320 = arith.mulf %mul3A_319, %add3A_314 : vector<128x256xf32>
    %select_n3A_321 = arith.select %ge3A_317, %add3A_314, %mul3A_320 : vector<128x256xi1>, vector<128x256xf32>
    %convert_element_type3A_322 = arith.truncf %select_n3A_321 : vector<128x256xf32> to vector<128x256xbf16>
    %swap3A_323 = arith.constant 21 : index
    %swap3A_324 = arith.constant 0 : index
    %swap3A_325 = arith.constant 0 : index
    %swap3A_326 = vector.load %arg12[%swap3A_323, %swap3A_324, %swap3A_325] : memref<27x128x256xbf16, #tpu.memory_space<vmem>>, vector<1x128x256xbf16>
    %swap3A_327 = vector.shape_cast %swap3A_326 : vector<1x128x256xbf16> to vector<128x256xbf16>
    %swap3A_328 = vector.shape_cast %convert_element_type3A_322 : vector<128x256xbf16> to vector<1x128x256xbf16>
    tpu.vector_store %arg12[%swap3A_323, %swap3A_324, %swap3A_325], %swap3A_328 {strides = array<i32>} : memref<27x128x256xbf16, #tpu.memory_space<vmem>>, vector<1x128x256xbf16>,
    %get3A_329 = arith.constant 0 : index
    %get3A_330 = arith.constant 1 : index
    %get3A_331 = arith.constant 0 : index
    %get3A_332 = arith.constant 0 : index
    %get3A_333 = vector.load %arg6[%get3A_329, %get3A_330, %get3A_331, %get3A_332] : memref<3x5x256x256xbf16, #tpu.memory_space<vmem>>, vector<1x1x256x256xbf16>
    %get3A_334 = vector.shape_cast %get3A_333 : vector<1x1x256x256xbf16> to vector<256x256xbf16>
    %dot_general3A_335 = arith.constant dense<0.000000e+00> : vector<640x256xf32>
    %dot_general3A_336 = tpu.matmul %reshape3A, %get3A_334, %dot_general3A_335 {dimension_numbers = #tpu.dot_dimension_numbers<[1], [0], [0], [1], [0, 0, 1, 1], [], []>, transpose_lhs_hint = false} : vector<640x256xbf16>, vector<256x256xbf16>, vector<640x256xf32> -> vector<640x256xf32>
    %reshape3A_337 = vector.shape_cast %dot_general3A_336 : vector<640x256xf32> to vector<5x128x256xf32>
    %slice3A_338 = vector.extract_strided_slice %reshape3A_337 {offsets = [0, 0, 0], sizes = [1, 128, 256], strides = [1, 1, 1]} : vector<5x128x256xf32> to vector<1x128x256xf32>
    %squeeze3A_339 = vector.shape_cast %slice3A_338 : vector<1x128x256xf32> to vector<128x256xf32>
    %get3A_340 = arith.constant 1 : index
    %get3A_341 = arith.constant 0 : index
    %get3A_342 = arith.constant 0 : index
    %get3A_343 = vector.load %arg7[%get3A_340, %get3A_341, %get3A_342] : memref<25x1x256xf32, #tpu.memory_space<vmem>>, vector<1x1x256xf32>
    %get3A_344 = vector.shape_cast %get3A_343 : vector<1x1x256xf32> to vector<1x256xf32>
    %add3A_345 = vector.broadcast %get3A_344 : vector<1x256xf32> to vector<128x256xf32>
    %add3A_346 = arith.addf %squeeze3A_339, %add3A_345 : vector<128x256xf32>
    %ge3A_347 = arith.constant 0.000000e+00 : f32
    %ge3A_348 = vector.broadcast %ge3A_347 : f32 to vector<128x256xf32>
    %ge3A_349 = arith.cmpf oge, %add3A_346, %ge3A_348 : vector<128x256xf32>
    %mul3A_350 = arith.constant 0.00999999977 : f32
    %mul3A_351 = vector.broadcast %mul3A_350 : f32 to vector<128x256xf32>
    %mul3A_352 = arith.mulf %mul3A_351, %add3A_346 : vector<128x256xf32>
    %select_n3A_353 = arith.select %ge3A_349, %add3A_346, %mul3A_352 : vector<128x256xi1>, vector<128x256xf32>
    %convert_element_type3A_354 = arith.truncf %select_n3A_353 : vector<128x256xf32> to vector<128x256xbf16>
    %swap3A_355 = arith.constant 2 : index
    %swap3A_356 = arith.constant 0 : index
    %swap3A_357 = arith.constant 0 : index
    %swap3A_358 = vector.load %arg12[%swap3A_355, %swap3A_356, %swap3A_357] : memref<27x128x256xbf16, #tpu.memory_space<vmem>>, vector<1x128x256xbf16>
    %swap3A_359 = vector.shape_cast %swap3A_358 : vector<1x128x256xbf16> to vector<128x256xbf16>
    %swap3A_360 = vector.shape_cast %convert_element_type3A_354 : vector<128x256xbf16> to vector<1x128x256xbf16>
    tpu.vector_store %arg12[%swap3A_355, %swap3A_356, %swap3A_357], %swap3A_360 {strides = array<i32>} : memref<27x128x256xbf16, #tpu.memory_space<vmem>>, vector<1x128x256xbf16>,
    %slice3A_361 = vector.extract_strided_slice %reshape3A_337 {offsets = [1, 0, 0], sizes = [1, 128, 256], strides = [1, 1, 1]} : vector<5x128x256xf32> to vector<1x128x256xf32>
    %squeeze3A_362 = vector.shape_cast %slice3A_361 : vector<1x128x256xf32> to vector<128x256xf32>
    %get3A_363 = arith.constant 6 : index
    %get3A_364 = arith.constant 0 : index
    %get3A_365 = arith.constant 0 : index
    %get3A_366 = vector.load %arg7[%get3A_363, %get3A_364, %get3A_365] : memref<25x1x256xf32, #tpu.memory_space<vmem>>, vector<1x1x256xf32>
    %get3A_367 = vector.shape_cast %get3A_366 : vector<1x1x256xf32> to vector<1x256xf32>
    %add3A_368 = vector.broadcast %get3A_367 : vector<1x256xf32> to vector<128x256xf32>
    %add3A_369 = arith.addf %squeeze3A_362, %add3A_368 : vector<128x256xf32>
    %ge3A_370 = arith.constant 0.000000e+00 : f32
    %ge3A_371 = vector.broadcast %ge3A_370 : f32 to vector<128x256xf32>
    %ge3A_372 = arith.cmpf oge, %add3A_369, %ge3A_371 : vector<128x256xf32>
    %mul3A_373 = arith.constant 0.00999999977 : f32
    %mul3A_374 = vector.broadcast %mul3A_373 : f32 to vector<128x256xf32>
    %mul3A_375 = arith.mulf %mul3A_374, %add3A_369 : vector<128x256xf32>
    %select_n3A_376 = arith.select %ge3A_372, %add3A_369, %mul3A_375 : vector<128x256xi1>, vector<128x256xf32>
    %convert_element_type3A_377 = arith.truncf %select_n3A_376 : vector<128x256xf32> to vector<128x256xbf16>
    %swap3A_378 = arith.constant 7 : index
    %swap3A_379 = arith.constant 0 : index
    %swap3A_380 = arith.constant 0 : index
    %swap3A_381 = vector.load %arg12[%swap3A_378, %swap3A_379, %swap3A_380] : memref<27x128x256xbf16, #tpu.memory_space<vmem>>, vector<1x128x256xbf16>
    %swap3A_382 = vector.shape_cast %swap3A_381 : vector<1x128x256xbf16> to vector<128x256xbf16>
    %swap3A_383 = vector.shape_cast %convert_element_type3A_377 : vector<128x256xbf16> to vector<1x128x256xbf16>
    tpu.vector_store %arg12[%swap3A_378, %swap3A_379, %swap3A_380], %swap3A_383 {strides = array<i32>} : memref<27x128x256xbf16, #tpu.memory_space<vmem>>, vector<1x128x256xbf16>,
    %slice3A_384 = vector.extract_strided_slice %reshape3A_337 {offsets = [2, 0, 0], sizes = [1, 128, 256], strides = [1, 1, 1]} : vector<5x128x256xf32> to vector<1x128x256xf32>
    %squeeze3A_385 = vector.shape_cast %slice3A_384 : vector<1x128x256xf32> to vector<128x256xf32>
    %get3A_386 = arith.constant 11 : index
    %get3A_387 = arith.constant 0 : index
    %get3A_388 = arith.constant 0 : index
    %get3A_389 = vector.load %arg7[%get3A_386, %get3A_387, %get3A_388] : memref<25x1x256xf32, #tpu.memory_space<vmem>>, vector<1x1x256xf32>
    %get3A_390 = vector.shape_cast %get3A_389 : vector<1x1x256xf32> to vector<1x256xf32>
    %add3A_391 = vector.broadcast %get3A_390 : vector<1x256xf32> to vector<128x256xf32>
    %add3A_392 = arith.addf %squeeze3A_385, %add3A_391 : vector<128x256xf32>
    %ge3A_393 = arith.constant 0.000000e+00 : f32
    %ge3A_394 = vector.broadcast %ge3A_393 : f32 to vector<128x256xf32>
    %ge3A_395 = arith.cmpf oge, %add3A_392, %ge3A_394 : vector<128x256xf32>
    %mul3A_396 = arith.constant 0.00999999977 : f32
    %mul3A_397 = vector.broadcast %mul3A_396 : f32 to vector<128x256xf32>
    %mul3A_398 = arith.mulf %mul3A_397, %add3A_392 : vector<128x256xf32>
    %select_n3A_399 = arith.select %ge3A_395, %add3A_392, %mul3A_398 : vector<128x256xi1>, vector<128x256xf32>
    %convert_element_type3A_400 = arith.truncf %select_n3A_399 : vector<128x256xf32> to vector<128x256xbf16>
    %swap3A_401 = arith.constant 12 : index
    %swap3A_402 = arith.constant 0 : index
    %swap3A_403 = arith.constant 0 : index
    %swap3A_404 = vector.load %arg12[%swap3A_401, %swap3A_402, %swap3A_403] : memref<27x128x256xbf16, #tpu.memory_space<vmem>>, vector<1x128x256xbf16>
    %swap3A_405 = vector.shape_cast %swap3A_404 : vector<1x128x256xbf16> to vector<128x256xbf16>
    %swap3A_406 = vector.shape_cast %convert_element_type3A_400 : vector<128x256xbf16> to vector<1x128x256xbf16>
    tpu.vector_store %arg12[%swap3A_401, %swap3A_402, %swap3A_403], %swap3A_406 {strides = array<i32>} : memref<27x128x256xbf16, #tpu.memory_space<vmem>>, vector<1x128x256xbf16>,
    %slice3A_407 = vector.extract_strided_slice %reshape3A_337 {offsets = [3, 0, 0], sizes = [1, 128, 256], strides = [1, 1, 1]} : vector<5x128x256xf32> to vector<1x128x256xf32>
    %squeeze3A_408 = vector.shape_cast %slice3A_407 : vector<1x128x256xf32> to vector<128x256xf32>
    %get3A_409 = arith.constant 16 : index
    %get3A_410 = arith.constant 0 : index
    %get3A_411 = arith.constant 0 : index
    %get3A_412 = vector.load %arg7[%get3A_409, %get3A_410, %get3A_411] : memref<25x1x256xf32, #tpu.memory_space<vmem>>, vector<1x1x256xf32>
    %get3A_413 = vector.shape_cast %get3A_412 : vector<1x1x256xf32> to vector<1x256xf32>
    %add3A_414 = vector.broadcast %get3A_413 : vector<1x256xf32> to vector<128x256xf32>
    %add3A_415 = arith.addf %squeeze3A_408, %add3A_414 : vector<128x256xf32>
    %ge3A_416 = arith.constant 0.000000e+00 : f32
    %ge3A_417 = vector.broadcast %ge3A_416 : f32 to vector<128x256xf32>
    %ge3A_418 = arith.cmpf oge, %add3A_415, %ge3A_417 : vector<128x256xf32>
    %mul3A_419 = arith.constant 0.00999999977 : f32
    %mul3A_420 = vector.broadcast %mul3A_419 : f32 to vector<128x256xf32>
    %mul3A_421 = arith.mulf %mul3A_420, %add3A_415 : vector<128x256xf32>
    %select_n3A_422 = arith.select %ge3A_418, %add3A_415, %mul3A_421 : vector<128x256xi1>, vector<128x256xf32>
    %convert_element_type3A_423 = arith.truncf %select_n3A_422 : vector<128x256xf32> to vector<128x256xbf16>
    %swap3A_424 = arith.constant 17 : index
    %swap3A_425 = arith.constant 0 : index
    %swap3A_426 = arith.constant 0 : index
    %swap3A_427 = vector.load %arg12[%swap3A_424, %swap3A_425, %swap3A_426] : memref<27x128x256xbf16, #tpu.memory_space<vmem>>, vector<1x128x256xbf16>
    %swap3A_428 = vector.shape_cast %swap3A_427 : vector<1x128x256xbf16> to vector<128x256xbf16>
    %swap3A_429 = vector.shape_cast %convert_element_type3A_423 : vector<128x256xbf16> to vector<1x128x256xbf16>
    tpu.vector_store %arg12[%swap3A_424, %swap3A_425, %swap3A_426], %swap3A_429 {strides = array<i32>} : memref<27x128x256xbf16, #tpu.memory_space<vmem>>, vector<1x128x256xbf16>,
    %slice3A_430 = vector.extract_strided_slice %reshape3A_337 {offsets = [4, 0, 0], sizes = [1, 128, 256], strides = [1, 1, 1]} : vector<5x128x256xf32> to vector<1x128x256xf32>
    %squeeze3A_431 = vector.shape_cast %slice3A_430 : vector<1x128x256xf32> to vector<128x256xf32>
    %get3A_432 = arith.constant 21 : index
    %get3A_433 = arith.constant 0 : index
    %get3A_434 = arith.constant 0 : index
    %get3A_435 = vector.load %arg7[%get3A_432, %get3A_433, %get3A_434] : memref<25x1x256xf32, #tpu.memory_space<vmem>>, vector<1x1x256xf32>
    %get3A_436 = vector.shape_cast %get3A_435 : vector<1x1x256xf32> to vector<1x256xf32>
    %add3A_437 = vector.broadcast %get3A_436 : vector<1x256xf32> to vector<128x256xf32>
    %add3A_438 = arith.addf %squeeze3A_431, %add3A_437 : vector<128x256xf32>
    %ge3A_439 = arith.constant 0.000000e+00 : f32
    %ge3A_440 = vector.broadcast %ge3A_439 : f32 to vector<128x256xf32>
    %ge3A_441 = arith.cmpf oge, %add3A_438, %ge3A_440 : vector<128x256xf32>
    %mul3A_442 = arith.constant 0.00999999977 : f32
    %mul3A_443 = vector.broadcast %mul3A_442 : f32 to vector<128x256xf32>
    %mul3A_444 = arith.mulf %mul3A_443, %add3A_438 : vector<128x256xf32>
    %select_n3A_445 = arith.select %ge3A_441, %add3A_438, %mul3A_444 : vector<128x256xi1>, vector<128x256xf32>
    %convert_element_type3A_446 = arith.truncf %select_n3A_445 : vector<128x256xf32> to vector<128x256xbf16>
    %swap3A_447 = arith.constant 22 : index
    %swap3A_448 = arith.constant 0 : index
    %swap3A_449 = arith.constant 0 : index
    %swap3A_450 = vector.load %arg12[%swap3A_447, %swap3A_448, %swap3A_449] : memref<27x128x256xbf16, #tpu.memory_space<vmem>>, vector<1x128x256xbf16>
    %swap3A_451 = vector.shape_cast %swap3A_450 : vector<1x128x256xbf16> to vector<128x256xbf16>
    %swap3A_452 = vector.shape_cast %convert_element_type3A_446 : vector<128x256xbf16> to vector<1x128x256xbf16>
    tpu.vector_store %arg12[%swap3A_447, %swap3A_448, %swap3A_449], %swap3A_452 {strides = array<i32>} : memref<27x128x256xbf16, #tpu.memory_space<vmem>>, vector<1x128x256xbf16>,
    %get3A_453 = arith.constant 0 : index
    %get3A_454 = arith.constant 2 : index
    %get3A_455 = arith.constant 0 : index
    %get3A_456 = arith.constant 0 : index
    %get3A_457 = vector.load %arg6[%get3A_453, %get3A_454, %get3A_455, %get3A_456] : memref<3x5x256x256xbf16, #tpu.memory_space<vmem>>, vector<1x1x256x256xbf16>
    %get3A_458 = vector.shape_cast %get3A_457 : vector<1x1x256x256xbf16> to vector<256x256xbf16>
    %dot_general3A_459 = arith.constant dense<0.000000e+00> : vector<640x256xf32>
    %dot_general3A_460 = tpu.matmul %reshape3A, %get3A_458, %dot_general3A_459 {dimension_numbers = #tpu.dot_dimension_numbers<[1], [0], [0], [1], [0, 0, 1, 1], [], []>, transpose_lhs_hint = false} : vector<640x256xbf16>, vector<256x256xbf16>, vector<640x256xf32> -> vector<640x256xf32>
    %reshape3A_461 = vector.shape_cast %dot_general3A_460 : vector<640x256xf32> to vector<5x128x256xf32>
    %slice3A_462 = vector.extract_strided_slice %reshape3A_461 {offsets = [0, 0, 0], sizes = [1, 128, 256], strides = [1, 1, 1]} : vector<5x128x256xf32> to vector<1x128x256xf32>
    %squeeze3A_463 = vector.shape_cast %slice3A_462 : vector<1x128x256xf32> to vector<128x256xf32>
    %get3A_464 = arith.constant 2 : index
    %get3A_465 = arith.constant 0 : index
    %get3A_466 = arith.constant 0 : index
    %get3A_467 = vector.load %arg7[%get3A_464, %get3A_465, %get3A_466] : memref<25x1x256xf32, #tpu.memory_space<vmem>>, vector<1x1x256xf32>
    %get3A_468 = vector.shape_cast %get3A_467 : vector<1x1x256xf32> to vector<1x256xf32>
    %add3A_469 = vector.broadcast %get3A_468 : vector<1x256xf32> to vector<128x256xf32>
    %add3A_470 = arith.addf %squeeze3A_463, %add3A_469 : vector<128x256xf32>
    %ge3A_471 = arith.constant 0.000000e+00 : f32
    %ge3A_472 = vector.broadcast %ge3A_471 : f32 to vector<128x256xf32>
    %ge3A_473 = arith.cmpf oge, %add3A_470, %ge3A_472 : vector<128x256xf32>
    %mul3A_474 = arith.constant 0.00999999977 : f32
    %mul3A_475 = vector.broadcast %mul3A_474 : f32 to vector<128x256xf32>
    %mul3A_476 = arith.mulf %mul3A_475, %add3A_470 : vector<128x256xf32>
    %select_n3A_477 = arith.select %ge3A_473, %add3A_470, %mul3A_476 : vector<128x256xi1>, vector<128x256xf32>
    %convert_element_type3A_478 = arith.truncf %select_n3A_477 : vector<128x256xf32> to vector<128x256xbf16>
    %swap3A_479 = arith.constant 3 : index
    %swap3A_480 = arith.constant 0 : index
    %swap3A_481 = arith.constant 0 : index
    %swap3A_482 = vector.load %arg12[%swap3A_479, %swap3A_480, %swap3A_481] : memref<27x128x256xbf16, #tpu.memory_space<vmem>>, vector<1x128x256xbf16>
    %swap3A_483 = vector.shape_cast %swap3A_482 : vector<1x128x256xbf16> to vector<128x256xbf16>
    %swap3A_484 = vector.shape_cast %convert_element_type3A_478 : vector<128x256xbf16> to vector<1x128x256xbf16>
    tpu.vector_store %arg12[%swap3A_479, %swap3A_480, %swap3A_481], %swap3A_484 {strides = array<i32>} : memref<27x128x256xbf16, #tpu.memory_space<vmem>>, vector<1x128x256xbf16>,
    %slice3A_485 = vector.extract_strided_slice %reshape3A_461 {offsets = [1, 0, 0], sizes = [1, 128, 256], strides = [1, 1, 1]} : vector<5x128x256xf32> to vector<1x128x256xf32>
    %squeeze3A_486 = vector.shape_cast %slice3A_485 : vector<1x128x256xf32> to vector<128x256xf32>
    %get3A_487 = arith.constant 7 : index
    %get3A_488 = arith.constant 0 : index
    %get3A_489 = arith.constant 0 : index
    %get3A_490 = vector.load %arg7[%get3A_487, %get3A_488, %get3A_489] : memref<25x1x256xf32, #tpu.memory_space<vmem>>, vector<1x1x256xf32>
    %get3A_491 = vector.shape_cast %get3A_490 : vector<1x1x256xf32> to vector<1x256xf32>
    %add3A_492 = vector.broadcast %get3A_491 : vector<1x256xf32> to vector<128x256xf32>
    %add3A_493 = arith.addf %squeeze3A_486, %add3A_492 : vector<128x256xf32>
    %ge3A_494 = arith.constant 0.000000e+00 : f32
    %ge3A_495 = vector.broadcast %ge3A_494 : f32 to vector<128x256xf32>
    %ge3A_496 = arith.cmpf oge, %add3A_493, %ge3A_495 : vector<128x256xf32>
    %mul3A_497 = arith.constant 0.00999999977 : f32
    %mul3A_498 = vector.broadcast %mul3A_497 : f32 to vector<128x256xf32>
    %mul3A_499 = arith.mulf %mul3A_498, %add3A_493 : vector<128x256xf32>
    %select_n3A_500 = arith.select %ge3A_496, %add3A_493, %mul3A_499 : vector<128x256xi1>, vector<128x256xf32>
    %convert_element_type3A_501 = arith.truncf %select_n3A_500 : vector<128x256xf32> to vector<128x256xbf16>
    %swap3A_502 = arith.constant 8 : index
    %swap3A_503 = arith.constant 0 : index
    %swap3A_504 = arith.constant 0 : index
    %swap3A_505 = vector.load %arg12[%swap3A_502, %swap3A_503, %swap3A_504] : memref<27x128x256xbf16, #tpu.memory_space<vmem>>, vector<1x128x256xbf16>
    %swap3A_506 = vector.shape_cast %swap3A_505 : vector<1x128x256xbf16> to vector<128x256xbf16>
    %swap3A_507 = vector.shape_cast %convert_element_type3A_501 : vector<128x256xbf16> to vector<1x128x256xbf16>
    tpu.vector_store %arg12[%swap3A_502, %swap3A_503, %swap3A_504], %swap3A_507 {strides = array<i32>} : memref<27x128x256xbf16, #tpu.memory_space<vmem>>, vector<1x128x256xbf16>,
    %slice3A_508 = vector.extract_strided_slice %reshape3A_461 {offsets = [2, 0, 0], sizes = [1, 128, 256], strides = [1, 1, 1]} : vector<5x128x256xf32> to vector<1x128x256xf32>
    %squeeze3A_509 = vector.shape_cast %slice3A_508 : vector<1x128x256xf32> to vector<128x256xf32>
    %get3A_510 = arith.constant 12 : index
    %get3A_511 = arith.constant 0 : index
    %get3A_512 = arith.constant 0 : index
    %get3A_513 = vector.load %arg7[%get3A_510, %get3A_511, %get3A_512] : memref<25x1x256xf32, #tpu.memory_space<vmem>>, vector<1x1x256xf32>
    %get3A_514 = vector.shape_cast %get3A_513 : vector<1x1x256xf32> to vector<1x256xf32>
    %add3A_515 = vector.broadcast %get3A_514 : vector<1x256xf32> to vector<128x256xf32>
    %add3A_516 = arith.addf %squeeze3A_509, %add3A_515 : vector<128x256xf32>
    %ge3A_517 = arith.constant 0.000000e+00 : f32
    %ge3A_518 = vector.broadcast %ge3A_517 : f32 to vector<128x256xf32>
    %ge3A_519 = arith.cmpf oge, %add3A_516, %ge3A_518 : vector<128x256xf32>
    %mul3A_520 = arith.constant 0.00999999977 : f32
    %mul3A_521 = vector.broadcast %mul3A_520 : f32 to vector<128x256xf32>
    %mul3A_522 = arith.mulf %mul3A_521, %add3A_516 : vector<128x256xf32>
    %select_n3A_523 = arith.select %ge3A_519, %add3A_516, %mul3A_522 : vector<128x256xi1>, vector<128x256xf32>
    %convert_element_type3A_524 = arith.truncf %select_n3A_523 : vector<128x256xf32> to vector<128x256xbf16>
    %swap3A_525 = arith.constant 13 : index
    %swap3A_526 = arith.constant 0 : index
    %swap3A_527 = arith.constant 0 : index
    %swap3A_528 = vector.load %arg12[%swap3A_525, %swap3A_526, %swap3A_527] : memref<27x128x256xbf16, #tpu.memory_space<vmem>>, vector<1x128x256xbf16>
    %swap3A_529 = vector.shape_cast %swap3A_528 : vector<1x128x256xbf16> to vector<128x256xbf16>
    %swap3A_530 = vector.shape_cast %convert_element_type3A_524 : vector<128x256xbf16> to vector<1x128x256xbf16>
    tpu.vector_store %arg12[%swap3A_525, %swap3A_526, %swap3A_527], %swap3A_530 {strides = array<i32>} : memref<27x128x256xbf16, #tpu.memory_space<vmem>>, vector<1x128x256xbf16>,
    %slice3A_531 = vector.extract_strided_slice %reshape3A_461 {offsets = [3, 0, 0], sizes = [1, 128, 256], strides = [1, 1, 1]} : vector<5x128x256xf32> to vector<1x128x256xf32>
    %squeeze3A_532 = vector.shape_cast %slice3A_531 : vector<1x128x256xf32> to vector<128x256xf32>
    %get3A_533 = arith.constant 17 : index
    %get3A_534 = arith.constant 0 : index
    %get3A_535 = arith.constant 0 : index
    %get3A_536 = vector.load %arg7[%get3A_533, %get3A_534, %get3A_535] : memref<25x1x256xf32, #tpu.memory_space<vmem>>, vector<1x1x256xf32>
    %get3A_537 = vector.shape_cast %get3A_536 : vector<1x1x256xf32> to vector<1x256xf32>
    %add3A_538 = vector.broadcast %get3A_537 : vector<1x256xf32> to vector<128x256xf32>
    %add3A_539 = arith.addf %squeeze3A_532, %add3A_538 : vector<128x256xf32>
    %ge3A_540 = arith.constant 0.000000e+00 : f32
    %ge3A_541 = vector.broadcast %ge3A_540 : f32 to vector<128x256xf32>
    %ge3A_542 = arith.cmpf oge, %add3A_539, %ge3A_541 : vector<128x256xf32>
    %mul3A_543 = arith.constant 0.00999999977 : f32
    %mul3A_544 = vector.broadcast %mul3A_543 : f32 to vector<128x256xf32>
    %mul3A_545 = arith.mulf %mul3A_544, %add3A_539 : vector<128x256xf32>
    %select_n3A_546 = arith.select %ge3A_542, %add3A_539, %mul3A_545 : vector<128x256xi1>, vector<128x256xf32>
    %convert_element_type3A_547 = arith.truncf %select_n3A_546 : vector<128x256xf32> to vector<128x256xbf16>
    %swap3A_548 = arith.constant 18 : index
    %swap3A_549 = arith.constant 0 : index
    %swap3A_550 = arith.constant 0 : index
    %swap3A_551 = vector.load %arg12[%swap3A_548, %swap3A_549, %swap3A_550] : memref<27x128x256xbf16, #tpu.memory_space<vmem>>, vector<1x128x256xbf16>
    %swap3A_552 = vector.shape_cast %swap3A_551 : vector<1x128x256xbf16> to vector<128x256xbf16>
    %swap3A_553 = vector.shape_cast %convert_element_type3A_547 : vector<128x256xbf16> to vector<1x128x256xbf16>
    tpu.vector_store %arg12[%swap3A_548, %swap3A_549, %swap3A_550], %swap3A_553 {strides = array<i32>} : memref<27x128x256xbf16, #tpu.memory_space<vmem>>, vector<1x128x256xbf16>,
    %slice3A_554 = vector.extract_strided_slice %reshape3A_461 {offsets = [4, 0, 0], sizes = [1, 128, 256], strides = [1, 1, 1]} : vector<5x128x256xf32> to vector<1x128x256xf32>
    %squeeze3A_555 = vector.shape_cast %slice3A_554 : vector<1x128x256xf32> to vector<128x256xf32>
    %get3A_556 = arith.constant 22 : index
    %get3A_557 = arith.constant 0 : index
    %get3A_558 = arith.constant 0 : index
    %get3A_559 = vector.load %arg7[%get3A_556, %get3A_557, %get3A_558] : memref<25x1x256xf32, #tpu.memory_space<vmem>>, vector<1x1x256xf32>
    %get3A_560 = vector.shape_cast %get3A_559 : vector<1x1x256xf32> to vector<1x256xf32>
    %add3A_561 = vector.broadcast %get3A_560 : vector<1x256xf32> to vector<128x256xf32>
    %add3A_562 = arith.addf %squeeze3A_555, %add3A_561 : vector<128x256xf32>
    %ge3A_563 = arith.constant 0.000000e+00 : f32
    %ge3A_564 = vector.broadcast %ge3A_563 : f32 to vector<128x256xf32>
    %ge3A_565 = arith.cmpf oge, %add3A_562, %ge3A_564 : vector<128x256xf32>
    %mul3A_566 = arith.constant 0.00999999977 : f32
    %mul3A_567 = vector.broadcast %mul3A_566 : f32 to vector<128x256xf32>
    %mul3A_568 = arith.mulf %mul3A_567, %add3A_562 : vector<128x256xf32>
    %select_n3A_569 = arith.select %ge3A_565, %add3A_562, %mul3A_568 : vector<128x256xi1>, vector<128x256xf32>
    %convert_element_type3A_570 = arith.truncf %select_n3A_569 : vector<128x256xf32> to vector<128x256xbf16>
    %swap3A_571 = arith.constant 23 : index
    %swap3A_572 = arith.constant 0 : index
    %swap3A_573 = arith.constant 0 : index
    %swap3A_574 = vector.load %arg12[%swap3A_571, %swap3A_572, %swap3A_573] : memref<27x128x256xbf16, #tpu.memory_space<vmem>>, vector<1x128x256xbf16>
    %swap3A_575 = vector.shape_cast %swap3A_574 : vector<1x128x256xbf16> to vector<128x256xbf16>
    %swap3A_576 = vector.shape_cast %convert_element_type3A_570 : vector<128x256xbf16> to vector<1x128x256xbf16>
    tpu.vector_store %arg12[%swap3A_571, %swap3A_572, %swap3A_573], %swap3A_576 {strides = array<i32>} : memref<27x128x256xbf16, #tpu.memory_space<vmem>>, vector<1x128x256xbf16>,
    %get3A_577 = arith.constant 0 : index
    %get3A_578 = arith.constant 3 : index
    %get3A_579 = arith.constant 0 : index
    %get3A_580 = arith.constant 0 : index
    %get3A_581 = vector.load %arg6[%get3A_577, %get3A_578, %get3A_579, %get3A_580] : memref<3x5x256x256xbf16, #tpu.memory_space<vmem>>, vector<1x1x256x256xbf16>
    %get3A_582 = vector.shape_cast %get3A_581 : vector<1x1x256x256xbf16> to vector<256x256xbf16>
    %dot_general3A_583 = arith.constant dense<0.000000e+00> : vector<640x256xf32>
    %dot_general3A_584 = tpu.matmul %reshape3A, %get3A_582, %dot_general3A_583 {dimension_numbers = #tpu.dot_dimension_numbers<[1], [0], [0], [1], [0, 0, 1, 1], [], []>, transpose_lhs_hint = false} : vector<640x256xbf16>, vector<256x256xbf16>, vector<640x256xf32> -> vector<640x256xf32>
    %reshape3A_585 = vector.shape_cast %dot_general3A_584 : vector<640x256xf32> to vector<5x128x256xf32>
    %slice3A_586 = vector.extract_strided_slice %reshape3A_585 {offsets = [0, 0, 0], sizes = [1, 128, 256], strides = [1, 1, 1]} : vector<5x128x256xf32> to vector<1x128x256xf32>
    %squeeze3A_587 = vector.shape_cast %slice3A_586 : vector<1x128x256xf32> to vector<128x256xf32>
    %get3A_588 = arith.constant 3 : index
    %get3A_589 = arith.constant 0 : index
    %get3A_590 = arith.constant 0 : index
    %get3A_591 = vector.load %arg7[%get3A_588, %get3A_589, %get3A_590] : memref<25x1x256xf32, #tpu.memory_space<vmem>>, vector<1x1x256xf32>
    %get3A_592 = vector.shape_cast %get3A_591 : vector<1x1x256xf32> to vector<1x256xf32>
    %add3A_593 = vector.broadcast %get3A_592 : vector<1x256xf32> to vector<128x256xf32>
    %add3A_594 = arith.addf %squeeze3A_587, %add3A_593 : vector<128x256xf32>
    %ge3A_595 = arith.constant 0.000000e+00 : f32
    %ge3A_596 = vector.broadcast %ge3A_595 : f32 to vector<128x256xf32>
    %ge3A_597 = arith.cmpf oge, %add3A_594, %ge3A_596 : vector<128x256xf32>
    %mul3A_598 = arith.constant 0.00999999977 : f32
    %mul3A_599 = vector.broadcast %mul3A_598 : f32 to vector<128x256xf32>
    %mul3A_600 = arith.mulf %mul3A_599, %add3A_594 : vector<128x256xf32>
    %select_n3A_601 = arith.select %ge3A_597, %add3A_594, %mul3A_600 : vector<128x256xi1>, vector<128x256xf32>
    %convert_element_type3A_602 = arith.truncf %select_n3A_601 : vector<128x256xf32> to vector<128x256xbf16>
    %swap3A_603 = arith.constant 4 : index
    %swap3A_604 = arith.constant 0 : index
    %swap3A_605 = arith.constant 0 : index
    %swap3A_606 = vector.load %arg12[%swap3A_603, %swap3A_604, %swap3A_605] : memref<27x128x256xbf16, #tpu.memory_space<vmem>>, vector<1x128x256xbf16>
    %swap3A_607 = vector.shape_cast %swap3A_606 : vector<1x128x256xbf16> to vector<128x256xbf16>
    %swap3A_608 = vector.shape_cast %convert_element_type3A_602 : vector<128x256xbf16> to vector<1x128x256xbf16>
    tpu.vector_store %arg12[%swap3A_603, %swap3A_604, %swap3A_605], %swap3A_608 {strides = array<i32>} : memref<27x128x256xbf16, #tpu.memory_space<vmem>>, vector<1x128x256xbf16>,
    %slice3A_609 = vector.extract_strided_slice %reshape3A_585 {offsets = [1, 0, 0], sizes = [1, 128, 256], strides = [1, 1, 1]} : vector<5x128x256xf32> to vector<1x128x256xf32>
    %squeeze3A_610 = vector.shape_cast %slice3A_609 : vector<1x128x256xf32> to vector<128x256xf32>
    %get3A_611 = arith.constant 8 : index
    %get3A_612 = arith.constant 0 : index
    %get3A_613 = arith.constant 0 : index
    %get3A_614 = vector.load %arg7[%get3A_611, %get3A_612, %get3A_613] : memref<25x1x256xf32, #tpu.memory_space<vmem>>, vector<1x1x256xf32>
    %get3A_615 = vector.shape_cast %get3A_614 : vector<1x1x256xf32> to vector<1x256xf32>
    %add3A_616 = vector.broadcast %get3A_615 : vector<1x256xf32> to vector<128x256xf32>
    %add3A_617 = arith.addf %squeeze3A_610, %add3A_616 : vector<128x256xf32>
    %ge3A_618 = arith.constant 0.000000e+00 : f32
    %ge3A_619 = vector.broadcast %ge3A_618 : f32 to vector<128x256xf32>
    %ge3A_620 = arith.cmpf oge, %add3A_617, %ge3A_619 : vector<128x256xf32>
    %mul3A_621 = arith.constant 0.00999999977 : f32
    %mul3A_622 = vector.broadcast %mul3A_621 : f32 to vector<128x256xf32>
    %mul3A_623 = arith.mulf %mul3A_622, %add3A_617 : vector<128x256xf32>
    %select_n3A_624 = arith.select %ge3A_620, %add3A_617, %mul3A_623 : vector<128x256xi1>, vector<128x256xf32>
    %convert_element_type3A_625 = arith.truncf %select_n3A_624 : vector<128x256xf32> to vector<128x256xbf16>
    %swap3A_626 = arith.constant 9 : index
    %swap3A_627 = arith.constant 0 : index
    %swap3A_628 = arith.constant 0 : index
    %swap3A_629 = vector.load %arg12[%swap3A_626, %swap3A_627, %swap3A_628] : memref<27x128x256xbf16, #tpu.memory_space<vmem>>, vector<1x128x256xbf16>
    %swap3A_630 = vector.shape_cast %swap3A_629 : vector<1x128x256xbf16> to vector<128x256xbf16>
    %swap3A_631 = vector.shape_cast %convert_element_type3A_625 : vector<128x256xbf16> to vector<1x128x256xbf16>
    tpu.vector_store %arg12[%swap3A_626, %swap3A_627, %swap3A_628], %swap3A_631 {strides = array<i32>} : memref<27x128x256xbf16, #tpu.memory_space<vmem>>, vector<1x128x256xbf16>,
    %slice3A_632 = vector.extract_strided_slice %reshape3A_585 {offsets = [2, 0, 0], sizes = [1, 128, 256], strides = [1, 1, 1]} : vector<5x128x256xf32> to vector<1x128x256xf32>
    %squeeze3A_633 = vector.shape_cast %slice3A_632 : vector<1x128x256xf32> to vector<128x256xf32>
    %get3A_634 = arith.constant 13 : index
    %get3A_635 = arith.constant 0 : index
    %get3A_636 = arith.constant 0 : index
    %get3A_637 = vector.load %arg7[%get3A_634, %get3A_635, %get3A_636] : memref<25x1x256xf32, #tpu.memory_space<vmem>>, vector<1x1x256xf32>
    %get3A_638 = vector.shape_cast %get3A_637 : vector<1x1x256xf32> to vector<1x256xf32>
    %add3A_639 = vector.broadcast %get3A_638 : vector<1x256xf32> to vector<128x256xf32>
    %add3A_640 = arith.addf %squeeze3A_633, %add3A_639 : vector<128x256xf32>
    %ge3A_641 = arith.constant 0.000000e+00 : f32
    %ge3A_642 = vector.broadcast %ge3A_641 : f32 to vector<128x256xf32>
    %ge3A_643 = arith.cmpf oge, %add3A_640, %ge3A_642 : vector<128x256xf32>
    %mul3A_644 = arith.constant 0.00999999977 : f32
    %mul3A_645 = vector.broadcast %mul3A_644 : f32 to vector<128x256xf32>
    %mul3A_646 = arith.mulf %mul3A_645, %add3A_640 : vector<128x256xf32>
    %select_n3A_647 = arith.select %ge3A_643, %add3A_640, %mul3A_646 : vector<128x256xi1>, vector<128x256xf32>
    %convert_element_type3A_648 = arith.truncf %select_n3A_647 : vector<128x256xf32> to vector<128x256xbf16>
    %swap3A_649 = arith.constant 14 : index
    %swap3A_650 = arith.constant 0 : index
    %swap3A_651 = arith.constant 0 : index
    %swap3A_652 = vector.load %arg12[%swap3A_649, %swap3A_650, %swap3A_651] : memref<27x128x256xbf16, #tpu.memory_space<vmem>>, vector<1x128x256xbf16>
    %swap3A_653 = vector.shape_cast %swap3A_652 : vector<1x128x256xbf16> to vector<128x256xbf16>
    %swap3A_654 = vector.shape_cast %convert_element_type3A_648 : vector<128x256xbf16> to vector<1x128x256xbf16>
    tpu.vector_store %arg12[%swap3A_649, %swap3A_650, %swap3A_651], %swap3A_654 {strides = array<i32>} : memref<27x128x256xbf16, #tpu.memory_space<vmem>>, vector<1x128x256xbf16>,
    %slice3A_655 = vector.extract_strided_slice %reshape3A_585 {offsets = [3, 0, 0], sizes = [1, 128, 256], strides = [1, 1, 1]} : vector<5x128x256xf32> to vector<1x128x256xf32>
    %squeeze3A_656 = vector.shape_cast %slice3A_655 : vector<1x128x256xf32> to vector<128x256xf32>
    %get3A_657 = arith.constant 18 : index
    %get3A_658 = arith.constant 0 : index
    %get3A_659 = arith.constant 0 : index
    %get3A_660 = vector.load %arg7[%get3A_657, %get3A_658, %get3A_659] : memref<25x1x256xf32, #tpu.memory_space<vmem>>, vector<1x1x256xf32>
    %get3A_661 = vector.shape_cast %get3A_660 : vector<1x1x256xf32> to vector<1x256xf32>
    %add3A_662 = vector.broadcast %get3A_661 : vector<1x256xf32> to vector<128x256xf32>
    %add3A_663 = arith.addf %squeeze3A_656, %add3A_662 : vector<128x256xf32>
    %ge3A_664 = arith.constant 0.000000e+00 : f32
    %ge3A_665 = vector.broadcast %ge3A_664 : f32 to vector<128x256xf32>
    %ge3A_666 = arith.cmpf oge, %add3A_663, %ge3A_665 : vector<128x256xf32>
    %mul3A_667 = arith.constant 0.00999999977 : f32
    %mul3A_668 = vector.broadcast %mul3A_667 : f32 to vector<128x256xf32>
    %mul3A_669 = arith.mulf %mul3A_668, %add3A_663 : vector<128x256xf32>
    %select_n3A_670 = arith.select %ge3A_666, %add3A_663, %mul3A_669 : vector<128x256xi1>, vector<128x256xf32>
    %convert_element_type3A_671 = arith.truncf %select_n3A_670 : vector<128x256xf32> to vector<128x256xbf16>
    %swap3A_672 = arith.constant 19 : index
    %swap3A_673 = arith.constant 0 : index
    %swap3A_674 = arith.constant 0 : index
    %swap3A_675 = vector.load %arg12[%swap3A_672, %swap3A_673, %swap3A_674] : memref<27x128x256xbf16, #tpu.memory_space<vmem>>, vector<1x128x256xbf16>
    %swap3A_676 = vector.shape_cast %swap3A_675 : vector<1x128x256xbf16> to vector<128x256xbf16>
    %swap3A_677 = vector.shape_cast %convert_element_type3A_671 : vector<128x256xbf16> to vector<1x128x256xbf16>
    tpu.vector_store %arg12[%swap3A_672, %swap3A_673, %swap3A_674], %swap3A_677 {strides = array<i32>} : memref<27x128x256xbf16, #tpu.memory_space<vmem>>, vector<1x128x256xbf16>,
    %slice3A_678 = vector.extract_strided_slice %reshape3A_585 {offsets = [4, 0, 0], sizes = [1, 128, 256], strides = [1, 1, 1]} : vector<5x128x256xf32> to vector<1x128x256xf32>
    %squeeze3A_679 = vector.shape_cast %slice3A_678 : vector<1x128x256xf32> to vector<128x256xf32>
    %get3A_680 = arith.constant 23 : index
    %get3A_681 = arith.constant 0 : index
    %get3A_682 = arith.constant 0 : index
    %get3A_683 = vector.load %arg7[%get3A_680, %get3A_681, %get3A_682] : memref<25x1x256xf32, #tpu.memory_space<vmem>>, vector<1x1x256xf32>
    %get3A_684 = vector.shape_cast %get3A_683 : vector<1x1x256xf32> to vector<1x256xf32>
    %add3A_685 = vector.broadcast %get3A_684 : vector<1x256xf32> to vector<128x256xf32>
    %add3A_686 = arith.addf %squeeze3A_679, %add3A_685 : vector<128x256xf32>
    %ge3A_687 = arith.constant 0.000000e+00 : f32
    %ge3A_688 = vector.broadcast %ge3A_687 : f32 to vector<128x256xf32>
    %ge3A_689 = arith.cmpf oge, %add3A_686, %ge3A_688 : vector<128x256xf32>
    %mul3A_690 = arith.constant 0.00999999977 : f32
    %mul3A_691 = vector.broadcast %mul3A_690 : f32 to vector<128x256xf32>
    %mul3A_692 = arith.mulf %mul3A_691, %add3A_686 : vector<128x256xf32>
    %select_n3A_693 = arith.select %ge3A_689, %add3A_686, %mul3A_692 : vector<128x256xi1>, vector<128x256xf32>
    %convert_element_type3A_694 = arith.truncf %select_n3A_693 : vector<128x256xf32> to vector<128x256xbf16>
    %swap3A_695 = arith.constant 24 : index
    %swap3A_696 = arith.constant 0 : index
    %swap3A_697 = arith.constant 0 : index
    %swap3A_698 = vector.load %arg12[%swap3A_695, %swap3A_696, %swap3A_697] : memref<27x128x256xbf16, #tpu.memory_space<vmem>>, vector<1x128x256xbf16>
    %swap3A_699 = vector.shape_cast %swap3A_698 : vector<1x128x256xbf16> to vector<128x256xbf16>
    %swap3A_700 = vector.shape_cast %convert_element_type3A_694 : vector<128x256xbf16> to vector<1x128x256xbf16>
    tpu.vector_store %arg12[%swap3A_695, %swap3A_696, %swap3A_697], %swap3A_700 {strides = array<i32>} : memref<27x128x256xbf16, #tpu.memory_space<vmem>>, vector<1x128x256xbf16>,
    %get3A_701 = arith.constant 0 : index
    %get3A_702 = arith.constant 4 : index
    %get3A_703 = arith.constant 0 : index
    %get3A_704 = arith.constant 0 : index
    %get3A_705 = vector.load %arg6[%get3A_701, %get3A_702, %get3A_703, %get3A_704] : memref<3x5x256x256xbf16, #tpu.memory_space<vmem>>, vector<1x1x256x256xbf16>
    %get3A_706 = vector.shape_cast %get3A_705 : vector<1x1x256x256xbf16> to vector<256x256xbf16>
    %dot_general3A_707 = arith.constant dense<0.000000e+00> : vector<640x256xf32>
    %dot_general3A_708 = tpu.matmul %reshape3A, %get3A_706, %dot_general3A_707 {dimension_numbers = #tpu.dot_dimension_numbers<[1], [0], [0], [1], [0, 0, 1, 1], [], []>, transpose_lhs_hint = false} : vector<640x256xbf16>, vector<256x256xbf16>, vector<640x256xf32> -> vector<640x256xf32>
    %get3A_709 = arith.constant 2 : index
    %get3A_710 = arith.constant 4 : index
    %get3A_711 = arith.constant 0 : index
    %get3A_712 = arith.constant 0 : index
    %get3A_713 = vector.load %arg6[%get3A_709, %get3A_710, %get3A_711, %get3A_712] : memref<3x5x256x256xbf16, #tpu.memory_space<vmem>>, vector<1x1x256x256xbf16>
    %get3A_714 = vector.shape_cast %get3A_713 : vector<1x1x256x256xbf16> to vector<256x256xbf16>
    %dot_general3A_715 = arith.constant dense<0.000000e+00> : vector<640x256xf32>
    %dot_general3A_716 = tpu.matmul %reshape3A_197, %get3A_714, %dot_general3A_715 {dimension_numbers = #tpu.dot_dimension_numbers<[1], [0], [0], [1], [0, 0, 1, 1], [], []>, transpose_lhs_hint = false} : vector<640x256xbf16>, vector<256x256xbf16>, vector<640x256xf32> -> vector<640x256xf32>
    %add3A_717 = arith.addf %dot_general3A_708, %dot_general3A_716 : vector<640x256xf32>
    %reshape3A_718 = vector.shape_cast %add3A_717 : vector<640x256xf32> to vector<5x128x256xf32>
    %slice3A_719 = vector.extract_strided_slice %reshape3A_718 {offsets = [0, 0, 0], sizes = [1, 128, 256], strides = [1, 1, 1]} : vector<5x128x256xf32> to vector<1x128x256xf32>
    %squeeze3A_720 = vector.shape_cast %slice3A_719 : vector<1x128x256xf32> to vector<128x256xf32>
    %get3A_721 = arith.constant 4 : index
    %get3A_722 = arith.constant 0 : index
    %get3A_723 = arith.constant 0 : index
    %get3A_724 = vector.load %arg7[%get3A_721, %get3A_722, %get3A_723] : memref<25x1x256xf32, #tpu.memory_space<vmem>>, vector<1x1x256xf32>
    %get3A_725 = vector.shape_cast %get3A_724 : vector<1x1x256xf32> to vector<1x256xf32>
    %add3A_726 = vector.broadcast %get3A_725 : vector<1x256xf32> to vector<128x256xf32>
    %add3A_727 = arith.addf %squeeze3A_720, %add3A_726 : vector<128x256xf32>
    %ge3A_728 = arith.constant 0.000000e+00 : f32
    %ge3A_729 = vector.broadcast %ge3A_728 : f32 to vector<128x256xf32>
    %ge3A_730 = arith.cmpf oge, %add3A_727, %ge3A_729 : vector<128x256xf32>
    %mul3A_731 = arith.constant 0.00999999977 : f32
    %mul3A_732 = vector.broadcast %mul3A_731 : f32 to vector<128x256xf32>
    %mul3A_733 = arith.mulf %mul3A_732, %add3A_727 : vector<128x256xf32>
    %select_n3A_734 = arith.select %ge3A_730, %add3A_727, %mul3A_733 : vector<128x256xi1>, vector<128x256xf32>
    %convert_element_type3A_735 = arith.truncf %select_n3A_734 : vector<128x256xf32> to vector<128x256xbf16>
    %swap3A_736 = arith.constant 5 : index
    %swap3A_737 = arith.constant 0 : index
    %swap3A_738 = arith.constant 0 : index
    %swap3A_739 = vector.load %arg12[%swap3A_736, %swap3A_737, %swap3A_738] : memref<27x128x256xbf16, #tpu.memory_space<vmem>>, vector<1x128x256xbf16>
    %swap3A_740 = vector.shape_cast %swap3A_739 : vector<1x128x256xbf16> to vector<128x256xbf16>
    %swap3A_741 = vector.shape_cast %convert_element_type3A_735 : vector<128x256xbf16> to vector<1x128x256xbf16>
    tpu.vector_store %arg12[%swap3A_736, %swap3A_737, %swap3A_738], %swap3A_741 {strides = array<i32>} : memref<27x128x256xbf16, #tpu.memory_space<vmem>>, vector<1x128x256xbf16>,
    %slice3A_742 = vector.extract_strided_slice %reshape3A_718 {offsets = [1, 0, 0], sizes = [1, 128, 256], strides = [1, 1, 1]} : vector<5x128x256xf32> to vector<1x128x256xf32>
    %squeeze3A_743 = vector.shape_cast %slice3A_742 : vector<1x128x256xf32> to vector<128x256xf32>
    %get3A_744 = arith.constant 9 : index
    %get3A_745 = arith.constant 0 : index
    %get3A_746 = arith.constant 0 : index
    %get3A_747 = vector.load %arg7[%get3A_744, %get3A_745, %get3A_746] : memref<25x1x256xf32, #tpu.memory_space<vmem>>, vector<1x1x256xf32>
    %get3A_748 = vector.shape_cast %get3A_747 : vector<1x1x256xf32> to vector<1x256xf32>
    %add3A_749 = vector.broadcast %get3A_748 : vector<1x256xf32> to vector<128x256xf32>
    %add3A_750 = arith.addf %squeeze3A_743, %add3A_749 : vector<128x256xf32>
    %ge3A_751 = arith.constant 0.000000e+00 : f32
    %ge3A_752 = vector.broadcast %ge3A_751 : f32 to vector<128x256xf32>
    %ge3A_753 = arith.cmpf oge, %add3A_750, %ge3A_752 : vector<128x256xf32>
    %mul3A_754 = arith.constant 0.00999999977 : f32
    %mul3A_755 = vector.broadcast %mul3A_754 : f32 to vector<128x256xf32>
    %mul3A_756 = arith.mulf %mul3A_755, %add3A_750 : vector<128x256xf32>
    %select_n3A_757 = arith.select %ge3A_753, %add3A_750, %mul3A_756 : vector<128x256xi1>, vector<128x256xf32>
    %convert_element_type3A_758 = arith.truncf %select_n3A_757 : vector<128x256xf32> to vector<128x256xbf16>
    %swap3A_759 = arith.constant 10 : index
    %swap3A_760 = arith.constant 0 : index
    %swap3A_761 = arith.constant 0 : index
    %swap3A_762 = vector.load %arg12[%swap3A_759, %swap3A_760, %swap3A_761] : memref<27x128x256xbf16, #tpu.memory_space<vmem>>, vector<1x128x256xbf16>
    %swap3A_763 = vector.shape_cast %swap3A_762 : vector<1x128x256xbf16> to vector<128x256xbf16>
    %swap3A_764 = vector.shape_cast %convert_element_type3A_758 : vector<128x256xbf16> to vector<1x128x256xbf16>
    tpu.vector_store %arg12[%swap3A_759, %swap3A_760, %swap3A_761], %swap3A_764 {strides = array<i32>} : memref<27x128x256xbf16, #tpu.memory_space<vmem>>, vector<1x128x256xbf16>,
    %slice3A_765 = vector.extract_strided_slice %reshape3A_718 {offsets = [2, 0, 0], sizes = [1, 128, 256], strides = [1, 1, 1]} : vector<5x128x256xf32> to vector<1x128x256xf32>
    %squeeze3A_766 = vector.shape_cast %slice3A_765 : vector<1x128x256xf32> to vector<128x256xf32>
    %get3A_767 = arith.constant 14 : index
    %get3A_768 = arith.constant 0 : index
    %get3A_769 = arith.constant 0 : index
    %get3A_770 = vector.load %arg7[%get3A_767, %get3A_768, %get3A_769] : memref<25x1x256xf32, #tpu.memory_space<vmem>>, vector<1x1x256xf32>
    %get3A_771 = vector.shape_cast %get3A_770 : vector<1x1x256xf32> to vector<1x256xf32>
    %add3A_772 = vector.broadcast %get3A_771 : vector<1x256xf32> to vector<128x256xf32>
    %add3A_773 = arith.addf %squeeze3A_766, %add3A_772 : vector<128x256xf32>
    %ge3A_774 = arith.constant 0.000000e+00 : f32
    %ge3A_775 = vector.broadcast %ge3A_774 : f32 to vector<128x256xf32>
    %ge3A_776 = arith.cmpf oge, %add3A_773, %ge3A_775 : vector<128x256xf32>
    %mul3A_777 = arith.constant 0.00999999977 : f32
    %mul3A_778 = vector.broadcast %mul3A_777 : f32 to vector<128x256xf32>
    %mul3A_779 = arith.mulf %mul3A_778, %add3A_773 : vector<128x256xf32>
    %select_n3A_780 = arith.select %ge3A_776, %add3A_773, %mul3A_779 : vector<128x256xi1>, vector<128x256xf32>
    %convert_element_type3A_781 = arith.truncf %select_n3A_780 : vector<128x256xf32> to vector<128x256xbf16>
    %swap3A_782 = arith.constant 15 : index
    %swap3A_783 = arith.constant 0 : index
    %swap3A_784 = arith.constant 0 : index
    %swap3A_785 = vector.load %arg12[%swap3A_782, %swap3A_783, %swap3A_784] : memref<27x128x256xbf16, #tpu.memory_space<vmem>>, vector<1x128x256xbf16>
    %swap3A_786 = vector.shape_cast %swap3A_785 : vector<1x128x256xbf16> to vector<128x256xbf16>
    %swap3A_787 = vector.shape_cast %convert_element_type3A_781 : vector<128x256xbf16> to vector<1x128x256xbf16>
    tpu.vector_store %arg12[%swap3A_782, %swap3A_783, %swap3A_784], %swap3A_787 {strides = array<i32>} : memref<27x128x256xbf16, #tpu.memory_space<vmem>>, vector<1x128x256xbf16>,
    %slice3A_788 = vector.extract_strided_slice %reshape3A_718 {offsets = [3, 0, 0], sizes = [1, 128, 256], strides = [1, 1, 1]} : vector<5x128x256xf32> to vector<1x128x256xf32>
    %squeeze3A_789 = vector.shape_cast %slice3A_788 : vector<1x128x256xf32> to vector<128x256xf32>
    %get3A_790 = arith.constant 19 : index
    %get3A_791 = arith.constant 0 : index
    %get3A_792 = arith.constant 0 : index
    %get3A_793 = vector.load %arg7[%get3A_790, %get3A_791, %get3A_792] : memref<25x1x256xf32, #tpu.memory_space<vmem>>, vector<1x1x256xf32>
    %get3A_794 = vector.shape_cast %get3A_793 : vector<1x1x256xf32> to vector<1x256xf32>
    %add3A_795 = vector.broadcast %get3A_794 : vector<1x256xf32> to vector<128x256xf32>
    %add3A_796 = arith.addf %squeeze3A_789, %add3A_795 : vector<128x256xf32>
    %ge3A_797 = arith.constant 0.000000e+00 : f32
    %ge3A_798 = vector.broadcast %ge3A_797 : f32 to vector<128x256xf32>
    %ge3A_799 = arith.cmpf oge, %add3A_796, %ge3A_798 : vector<128x256xf32>
    %mul3A_800 = arith.constant 0.00999999977 : f32
    %mul3A_801 = vector.broadcast %mul3A_800 : f32 to vector<128x256xf32>
    %mul3A_802 = arith.mulf %mul3A_801, %add3A_796 : vector<128x256xf32>
    %select_n3A_803 = arith.select %ge3A_799, %add3A_796, %mul3A_802 : vector<128x256xi1>, vector<128x256xf32>
    %convert_element_type3A_804 = arith.truncf %select_n3A_803 : vector<128x256xf32> to vector<128x256xbf16>
    %swap3A_805 = arith.constant 20 : index
    %swap3A_806 = arith.constant 0 : index
    %swap3A_807 = arith.constant 0 : index
    %swap3A_808 = vector.load %arg12[%swap3A_805, %swap3A_806, %swap3A_807] : memref<27x128x256xbf16, #tpu.memory_space<vmem>>, vector<1x128x256xbf16>
    %swap3A_809 = vector.shape_cast %swap3A_808 : vector<1x128x256xbf16> to vector<128x256xbf16>
    %swap3A_810 = vector.shape_cast %convert_element_type3A_804 : vector<128x256xbf16> to vector<1x128x256xbf16>
    tpu.vector_store %arg12[%swap3A_805, %swap3A_806, %swap3A_807], %swap3A_810 {strides = array<i32>} : memref<27x128x256xbf16, #tpu.memory_space<vmem>>, vector<1x128x256xbf16>,
    %slice3A_811 = vector.extract_strided_slice %reshape3A_718 {offsets = [4, 0, 0], sizes = [1, 128, 256], strides = [1, 1, 1]} : vector<5x128x256xf32> to vector<1x128x256xf32>
    %squeeze3A_812 = vector.shape_cast %slice3A_811 : vector<1x128x256xf32> to vector<128x256xf32>
    %get3A_813 = arith.constant 24 : index
    %get3A_814 = arith.constant 0 : index
    %get3A_815 = arith.constant 0 : index
    %get3A_816 = vector.load %arg7[%get3A_813, %get3A_814, %get3A_815] : memref<25x1x256xf32, #tpu.memory_space<vmem>>, vector<1x1x256xf32>
    %get3A_817 = vector.shape_cast %get3A_816 : vector<1x1x256xf32> to vector<1x256xf32>
    %add3A_818 = vector.broadcast %get3A_817 : vector<1x256xf32> to vector<128x256xf32>
    %add3A_819 = arith.addf %squeeze3A_812, %add3A_818 : vector<128x256xf32>
    %ge3A_820 = arith.constant 0.000000e+00 : f32
    %ge3A_821 = vector.broadcast %ge3A_820 : f32 to vector<128x256xf32>
    %ge3A_822 = arith.cmpf oge, %add3A_819, %ge3A_821 : vector<128x256xf32>
    %mul3A_823 = arith.constant 0.00999999977 : f32
    %mul3A_824 = vector.broadcast %mul3A_823 : f32 to vector<128x256xf32>
    %mul3A_825 = arith.mulf %mul3A_824, %add3A_819 : vector<128x256xf32>
    %select_n3A_826 = arith.select %ge3A_822, %add3A_819, %mul3A_825 : vector<128x256xi1>, vector<128x256xf32>
    %convert_element_type3A_827 = arith.truncf %select_n3A_826 : vector<128x256xf32> to vector<128x256xbf16>
    %swap3A_828 = arith.constant 25 : index
    %swap3A_829 = arith.constant 0 : index
    %swap3A_830 = arith.constant 0 : index
    %swap3A_831 = vector.load %arg12[%swap3A_828, %swap3A_829, %swap3A_830] : memref<27x128x256xbf16, #tpu.memory_space<vmem>>, vector<1x128x256xbf16>
    %swap3A_832 = vector.shape_cast %swap3A_831 : vector<1x128x256xbf16> to vector<128x256xbf16>
    %swap3A_833 = vector.shape_cast %convert_element_type3A_827 : vector<128x256xbf16> to vector<1x128x256xbf16>
    tpu.vector_store %arg12[%swap3A_828, %swap3A_829, %swap3A_830], %swap3A_833 {strides = array<i32>} : memref<27x128x256xbf16, #tpu.memory_space<vmem>>, vector<1x128x256xbf16>,
    %get3A_834 = arith.constant 1 : index
    %get3A_835 = arith.constant 0 : index
    %get3A_836 = arith.constant 0 : index
    %get3A_837 = vector.load %arg12[%get3A_834, %get3A_835, %get3A_836] : memref<27x128x256xbf16, #tpu.memory_space<vmem>>, vector<25x128x256xbf16>
    %reshape3A_838 = vector.shape_cast %get3A_837 : vector<25x128x256xbf16> to vector<3200x256xbf16>
    %get3A_839 = arith.constant 0 : index
    %get3A_840 = arith.constant 0 : index
    %get3A_841 = arith.constant 0 : index
    %get3A_842 = vector.load %arg12[%get3A_839, %get3A_840, %get3A_841] : memref<27x128x256xbf16, #tpu.memory_space<vmem>>, vector<25x128x256xbf16>
    %reshape3A_843 = vector.shape_cast %get3A_842 : vector<25x128x256xbf16> to vector<3200x256xbf16>
    %get3A_844 = arith.constant 2 : index
    %get3A_845 = arith.constant 0 : index
    %get3A_846 = arith.constant 0 : index
    %get3A_847 = vector.load %arg12[%get3A_844, %get3A_845, %get3A_846] : memref<27x128x256xbf16, #tpu.memory_space<vmem>>, vector<25x128x256xbf16>
    %reshape3A_848 = vector.shape_cast %get3A_847 : vector<25x128x256xbf16> to vector<3200x256xbf16>
    %get3A_849 = arith.constant 0 : index
    %get3A_850 = arith.constant 0 : index
    %get3A_851 = arith.constant 0 : index
    %get3A_852 = arith.constant 0 : index
    %get3A_853 = vector.load %arg8[%get3A_849, %get3A_850, %get3A_851, %get3A_852] : memref<3x2x256x384xbf16, #tpu.memory_space<vmem>>, vector<1x1x256x384xbf16>
    %get3A_854 = vector.shape_cast %get3A_853 : vector<1x1x256x384xbf16> to vector<256x384xbf16>
    %dot_general3A_855 = arith.constant dense<0.000000e+00> : vector<3200x384xf32>
    %dot_general3A_856 = tpu.matmul %reshape3A_838, %get3A_854, %dot_general3A_855 {dimension_numbers = #tpu.dot_dimension_numbers<[1], [0], [0], [1], [0, 0, 1, 1], [], []>, transpose_lhs_hint = false} : vector<3200x256xbf16>, vector<256x384xbf16>, vector<3200x384xf32> -> vector<3200x384xf32>
    %get3A_857 = arith.constant 1 : index
    %get3A_858 = arith.constant 0 : index
    %get3A_859 = arith.constant 0 : index
    %get3A_860 = arith.constant 0 : index
    %get3A_861 = vector.load %arg8[%get3A_857, %get3A_858, %get3A_859, %get3A_860] : memref<3x2x256x384xbf16, #tpu.memory_space<vmem>>, vector<1x1x256x384xbf16>
    %get3A_862 = vector.shape_cast %get3A_861 : vector<1x1x256x384xbf16> to vector<256x384xbf16>
    %dot_general3A_863 = arith.constant dense<0.000000e+00> : vector<3200x384xf32>
    %dot_general3A_864 = tpu.matmul %reshape3A_843, %get3A_862, %dot_general3A_863 {dimension_numbers = #tpu.dot_dimension_numbers<[1], [0], [0], [1], [0, 0, 1, 1], [], []>, transpose_lhs_hint = false} : vector<3200x256xbf16>, vector<256x384xbf16>, vector<3200x384xf32> -> vector<3200x384xf32>
    %add3A_865 = arith.addf %dot_general3A_856, %dot_general3A_864 : vector<3200x384xf32>
    %reshape3A_866 = vector.shape_cast %add3A_865 : vector<3200x384xf32> to vector<25x128x384xf32>
    %slice3A_867 = vector.extract_strided_slice %reshape3A_866 {offsets = [0, 0, 0], sizes = [1, 128, 384], strides = [1, 1, 1]} : vector<25x128x384xf32> to vector<1x128x384xf32>
    %squeeze3A_868 = vector.shape_cast %slice3A_867 : vector<1x128x384xf32> to vector<128x384xf32>
    %get3A_869 = arith.constant 0 : index
    %get3A_870 = arith.constant 0 : index
    %get3A_871 = arith.constant 0 : index
    %get3A_872 = vector.load %arg9[%get3A_869, %get3A_870, %get3A_871] : memref<50x1x384xf32, #tpu.memory_space<vmem>>, vector<1x1x384xf32>
    %get3A_873 = vector.shape_cast %get3A_872 : vector<1x1x384xf32> to vector<1x384xf32>
    %add3A_874 = vector.broadcast %get3A_873 : vector<1x384xf32> to vector<128x384xf32>
    %add3A_875 = arith.addf %squeeze3A_868, %add3A_874 : vector<128x384xf32>
    %max3A = arith.constant 0.000000e+00 : f32
    %max3A_876 = vector.broadcast %max3A : f32 to vector<128x384xf32>
    %max3A_877 = arith.maximumf %add3A_875, %max3A_876 : vector<128x384xf32>
    %swap3A_878 = arith.constant 0 : index
    %swap3A_879 = arith.constant 0 : index
    %swap3A_880 = arith.constant 0 : index
    %swap3A_881 = vector.load %arg10[%swap3A_878, %swap3A_879, %swap3A_880] : memref<50x128x384xf32, #tpu.memory_space<vmem>>, vector<1x128x384xf32>
    %swap3A_882 = vector.shape_cast %swap3A_881 : vector<1x128x384xf32> to vector<128x384xf32>
    %swap3A_883 = vector.shape_cast %max3A_877 : vector<128x384xf32> to vector<1x128x384xf32>
    tpu.vector_store %arg10[%swap3A_878, %swap3A_879, %swap3A_880], %swap3A_883 {strides = array<i32>} : memref<50x128x384xf32, #tpu.memory_space<vmem>>, vector<1x128x384xf32>,
    %slice3A_884 = vector.extract_strided_slice %reshape3A_866 {offsets = [1, 0, 0], sizes = [1, 128, 384], strides = [1, 1, 1]} : vector<25x128x384xf32> to vector<1x128x384xf32>
    %squeeze3A_885 = vector.shape_cast %slice3A_884 : vector<1x128x384xf32> to vector<128x384xf32>
    %get3A_886 = arith.constant 2 : index
    %get3A_887 = arith.constant 0 : index
    %get3A_888 = arith.constant 0 : index
    %get3A_889 = vector.load %arg9[%get3A_886, %get3A_887, %get3A_888] : memref<50x1x384xf32, #tpu.memory_space<vmem>>, vector<1x1x384xf32>
    %get3A_890 = vector.shape_cast %get3A_889 : vector<1x1x384xf32> to vector<1x384xf32>
    %add3A_891 = vector.broadcast %get3A_890 : vector<1x384xf32> to vector<128x384xf32>
    %add3A_892 = arith.addf %squeeze3A_885, %add3A_891 : vector<128x384xf32>
    %max3A_893 = arith.constant 0.000000e+00 : f32
    %max3A_894 = vector.broadcast %max3A_893 : f32 to vector<128x384xf32>
    %max3A_895 = arith.maximumf %add3A_892, %max3A_894 : vector<128x384xf32>
    %swap3A_896 = arith.constant 2 : index
    %swap3A_897 = arith.constant 0 : index
    %swap3A_898 = arith.constant 0 : index
    %swap3A_899 = vector.load %arg10[%swap3A_896, %swap3A_897, %swap3A_898] : memref<50x128x384xf32, #tpu.memory_space<vmem>>, vector<1x128x384xf32>
    %swap3A_900 = vector.shape_cast %swap3A_899 : vector<1x128x384xf32> to vector<128x384xf32>
    %swap3A_901 = vector.shape_cast %max3A_895 : vector<128x384xf32> to vector<1x128x384xf32>
    tpu.vector_store %arg10[%swap3A_896, %swap3A_897, %swap3A_898], %swap3A_901 {strides = array<i32>} : memref<50x128x384xf32, #tpu.memory_space<vmem>>, vector<1x128x384xf32>,
    %slice3A_902 = vector.extract_strided_slice %reshape3A_866 {offsets = [2, 0, 0], sizes = [1, 128, 384], strides = [1, 1, 1]} : vector<25x128x384xf32> to vector<1x128x384xf32>
    %squeeze3A_903 = vector.shape_cast %slice3A_902 : vector<1x128x384xf32> to vector<128x384xf32>
    %get3A_904 = arith.constant 4 : index
    %get3A_905 = arith.constant 0 : index
    %get3A_906 = arith.constant 0 : index
    %get3A_907 = vector.load %arg9[%get3A_904, %get3A_905, %get3A_906] : memref<50x1x384xf32, #tpu.memory_space<vmem>>, vector<1x1x384xf32>
    %get3A_908 = vector.shape_cast %get3A_907 : vector<1x1x384xf32> to vector<1x384xf32>
    %add3A_909 = vector.broadcast %get3A_908 : vector<1x384xf32> to vector<128x384xf32>
    %add3A_910 = arith.addf %squeeze3A_903, %add3A_909 : vector<128x384xf32>
    %max3A_911 = arith.constant 0.000000e+00 : f32
    %max3A_912 = vector.broadcast %max3A_911 : f32 to vector<128x384xf32>
    %max3A_913 = arith.maximumf %add3A_910, %max3A_912 : vector<128x384xf32>
    %swap3A_914 = arith.constant 4 : index
    %swap3A_915 = arith.constant 0 : index
    %swap3A_916 = arith.constant 0 : index
    %swap3A_917 = vector.load %arg10[%swap3A_914, %swap3A_915, %swap3A_916] : memref<50x128x384xf32, #tpu.memory_space<vmem>>, vector<1x128x384xf32>
    %swap3A_918 = vector.shape_cast %swap3A_917 : vector<1x128x384xf32> to vector<128x384xf32>
    %swap3A_919 = vector.shape_cast %max3A_913 : vector<128x384xf32> to vector<1x128x384xf32>
    tpu.vector_store %arg10[%swap3A_914, %swap3A_915, %swap3A_916], %swap3A_919 {strides = array<i32>} : memref<50x128x384xf32, #tpu.memory_space<vmem>>, vector<1x128x384xf32>,
    %slice3A_920 = vector.extract_strided_slice %reshape3A_866 {offsets = [3, 0, 0], sizes = [1, 128, 384], strides = [1, 1, 1]} : vector<25x128x384xf32> to vector<1x128x384xf32>
    %squeeze3A_921 = vector.shape_cast %slice3A_920 : vector<1x128x384xf32> to vector<128x384xf32>
    %get3A_922 = arith.constant 6 : index
    %get3A_923 = arith.constant 0 : index
    %get3A_924 = arith.constant 0 : index
    %get3A_925 = vector.load %arg9[%get3A_922, %get3A_923, %get3A_924] : memref<50x1x384xf32, #tpu.memory_space<vmem>>, vector<1x1x384xf32>
    %get3A_926 = vector.shape_cast %get3A_925 : vector<1x1x384xf32> to vector<1x384xf32>
    %add3A_927 = vector.broadcast %get3A_926 : vector<1x384xf32> to vector<128x384xf32>
    %add3A_928 = arith.addf %squeeze3A_921, %add3A_927 : vector<128x384xf32>
    %max3A_929 = arith.constant 0.000000e+00 : f32
    %max3A_930 = vector.broadcast %max3A_929 : f32 to vector<128x384xf32>
    %max3A_931 = arith.maximumf %add3A_928, %max3A_930 : vector<128x384xf32>
    %swap3A_932 = arith.constant 6 : index
    %swap3A_933 = arith.constant 0 : index
    %swap3A_934 = arith.constant 0 : index
    %swap3A_935 = vector.load %arg10[%swap3A_932, %swap3A_933, %swap3A_934] : memref<50x128x384xf32, #tpu.memory_space<vmem>>, vector<1x128x384xf32>
    %swap3A_936 = vector.shape_cast %swap3A_935 : vector<1x128x384xf32> to vector<128x384xf32>
    %swap3A_937 = vector.shape_cast %max3A_931 : vector<128x384xf32> to vector<1x128x384xf32>
    tpu.vector_store %arg10[%swap3A_932, %swap3A_933, %swap3A_934], %swap3A_937 {strides = array<i32>} : memref<50x128x384xf32, #tpu.memory_space<vmem>>, vector<1x128x384xf32>,
    %slice3A_938 = vector.extract_strided_slice %reshape3A_866 {offsets = [4, 0, 0], sizes = [1, 128, 384], strides = [1, 1, 1]} : vector<25x128x384xf32> to vector<1x128x384xf32>
    %squeeze3A_939 = vector.shape_cast %slice3A_938 : vector<1x128x384xf32> to vector<128x384xf32>
    %get3A_940 = arith.constant 8 : index
    %get3A_941 = arith.constant 0 : index
    %get3A_942 = arith.constant 0 : index
    %get3A_943 = vector.load %arg9[%get3A_940, %get3A_941, %get3A_942] : memref<50x1x384xf32, #tpu.memory_space<vmem>>, vector<1x1x384xf32>
    %get3A_944 = vector.shape_cast %get3A_943 : vector<1x1x384xf32> to vector<1x384xf32>
    %add3A_945 = vector.broadcast %get3A_944 : vector<1x384xf32> to vector<128x384xf32>
    %add3A_946 = arith.addf %squeeze3A_939, %add3A_945 : vector<128x384xf32>
    %max3A_947 = arith.constant 0.000000e+00 : f32
    %max3A_948 = vector.broadcast %max3A_947 : f32 to vector<128x384xf32>
    %max3A_949 = arith.maximumf %add3A_946, %max3A_948 : vector<128x384xf32>
    %swap3A_950 = arith.constant 8 : index
    %swap3A_951 = arith.constant 0 : index
    %swap3A_952 = arith.constant 0 : index
    %swap3A_953 = vector.load %arg10[%swap3A_950, %swap3A_951, %swap3A_952] : memref<50x128x384xf32, #tpu.memory_space<vmem>>, vector<1x128x384xf32>
    %swap3A_954 = vector.shape_cast %swap3A_953 : vector<1x128x384xf32> to vector<128x384xf32>
    %swap3A_955 = vector.shape_cast %max3A_949 : vector<128x384xf32> to vector<1x128x384xf32>
    tpu.vector_store %arg10[%swap3A_950, %swap3A_951, %swap3A_952], %swap3A_955 {strides = array<i32>} : memref<50x128x384xf32, #tpu.memory_space<vmem>>, vector<1x128x384xf32>,
    %slice3A_956 = vector.extract_strided_slice %reshape3A_866 {offsets = [5, 0, 0], sizes = [1, 128, 384], strides = [1, 1, 1]} : vector<25x128x384xf32> to vector<1x128x384xf32>
    %squeeze3A_957 = vector.shape_cast %slice3A_956 : vector<1x128x384xf32> to vector<128x384xf32>
    %get3A_958 = arith.constant 10 : index
    %get3A_959 = arith.constant 0 : index
    %get3A_960 = arith.constant 0 : index
    %get3A_961 = vector.load %arg9[%get3A_958, %get3A_959, %get3A_960] : memref<50x1x384xf32, #tpu.memory_space<vmem>>, vector<1x1x384xf32>
    %get3A_962 = vector.shape_cast %get3A_961 : vector<1x1x384xf32> to vector<1x384xf32>
    %add3A_963 = vector.broadcast %get3A_962 : vector<1x384xf32> to vector<128x384xf32>
    %add3A_964 = arith.addf %squeeze3A_957, %add3A_963 : vector<128x384xf32>
    %max3A_965 = arith.constant 0.000000e+00 : f32
    %max3A_966 = vector.broadcast %max3A_965 : f32 to vector<128x384xf32>
    %max3A_967 = arith.maximumf %add3A_964, %max3A_966 : vector<128x384xf32>
    %swap3A_968 = arith.constant 10 : index
    %swap3A_969 = arith.constant 0 : index
    %swap3A_970 = arith.constant 0 : index
    %swap3A_971 = vector.load %arg10[%swap3A_968, %swap3A_969, %swap3A_970] : memref<50x128x384xf32, #tpu.memory_space<vmem>>, vector<1x128x384xf32>
    %swap3A_972 = vector.shape_cast %swap3A_971 : vector<1x128x384xf32> to vector<128x384xf32>
    %swap3A_973 = vector.shape_cast %max3A_967 : vector<128x384xf32> to vector<1x128x384xf32>
    tpu.vector_store %arg10[%swap3A_968, %swap3A_969, %swap3A_970], %swap3A_973 {strides = array<i32>} : memref<50x128x384xf32, #tpu.memory_space<vmem>>, vector<1x128x384xf32>,
    %slice3A_974 = vector.extract_strided_slice %reshape3A_866 {offsets = [6, 0, 0], sizes = [1, 128, 384], strides = [1, 1, 1]} : vector<25x128x384xf32> to vector<1x128x384xf32>
    %squeeze3A_975 = vector.shape_cast %slice3A_974 : vector<1x128x384xf32> to vector<128x384xf32>
    %get3A_976 = arith.constant 12 : index
    %get3A_977 = arith.constant 0 : index
    %get3A_978 = arith.constant 0 : index
    %get3A_979 = vector.load %arg9[%get3A_976, %get3A_977, %get3A_978] : memref<50x1x384xf32, #tpu.memory_space<vmem>>, vector<1x1x384xf32>
    %get3A_980 = vector.shape_cast %get3A_979 : vector<1x1x384xf32> to vector<1x384xf32>
    %add3A_981 = vector.broadcast %get3A_980 : vector<1x384xf32> to vector<128x384xf32>
    %add3A_982 = arith.addf %squeeze3A_975, %add3A_981 : vector<128x384xf32>
    %max3A_983 = arith.constant 0.000000e+00 : f32
    %max3A_984 = vector.broadcast %max3A_983 : f32 to vector<128x384xf32>
    %max3A_985 = arith.maximumf %add3A_982, %max3A_984 : vector<128x384xf32>
    %swap3A_986 = arith.constant 12 : index
    %swap3A_987 = arith.constant 0 : index
    %swap3A_988 = arith.constant 0 : index
    %swap3A_989 = vector.load %arg10[%swap3A_986, %swap3A_987, %swap3A_988] : memref<50x128x384xf32, #tpu.memory_space<vmem>>, vector<1x128x384xf32>
    %swap3A_990 = vector.shape_cast %swap3A_989 : vector<1x128x384xf32> to vector<128x384xf32>
    %swap3A_991 = vector.shape_cast %max3A_985 : vector<128x384xf32> to vector<1x128x384xf32>
    tpu.vector_store %arg10[%swap3A_986, %swap3A_987, %swap3A_988], %swap3A_991 {strides = array<i32>} : memref<50x128x384xf32, #tpu.memory_space<vmem>>, vector<1x128x384xf32>,
    %slice3A_992 = vector.extract_strided_slice %reshape3A_866 {offsets = [7, 0, 0], sizes = [1, 128, 384], strides = [1, 1, 1]} : vector<25x128x384xf32> to vector<1x128x384xf32>
    %squeeze3A_993 = vector.shape_cast %slice3A_992 : vector<1x128x384xf32> to vector<128x384xf32>
    %get3A_994 = arith.constant 14 : index
    %get3A_995 = arith.constant 0 : index
    %get3A_996 = arith.constant 0 : index
    %get3A_997 = vector.load %arg9[%get3A_994, %get3A_995, %get3A_996] : memref<50x1x384xf32, #tpu.memory_space<vmem>>, vector<1x1x384xf32>
    %get3A_998 = vector.shape_cast %get3A_997 : vector<1x1x384xf32> to vector<1x384xf32>
    %add3A_999 = vector.broadcast %get3A_998 : vector<1x384xf32> to vector<128x384xf32>
    %add3A_1000 = arith.addf %squeeze3A_993, %add3A_999 : vector<128x384xf32>
    %max3A_1001 = arith.constant 0.000000e+00 : f32
    %max3A_1002 = vector.broadcast %max3A_1001 : f32 to vector<128x384xf32>
    %max3A_1003 = arith.maximumf %add3A_1000, %max3A_1002 : vector<128x384xf32>
    %swap3A_1004 = arith.constant 14 : index
    %swap3A_1005 = arith.constant 0 : index
    %swap3A_1006 = arith.constant 0 : index
    %swap3A_1007 = vector.load %arg10[%swap3A_1004, %swap3A_1005, %swap3A_1006] : memref<50x128x384xf32, #tpu.memory_space<vmem>>, vector<1x128x384xf32>
    %swap3A_1008 = vector.shape_cast %swap3A_1007 : vector<1x128x384xf32> to vector<128x384xf32>
    %swap3A_1009 = vector.shape_cast %max3A_1003 : vector<128x384xf32> to vector<1x128x384xf32>
    tpu.vector_store %arg10[%swap3A_1004, %swap3A_1005, %swap3A_1006], %swap3A_1009 {strides = array<i32>} : memref<50x128x384xf32, #tpu.memory_space<vmem>>, vector<1x128x384xf32>,
    %slice3A_1010 = vector.extract_strided_slice %reshape3A_866 {offsets = [8, 0, 0], sizes = [1, 128, 384], strides = [1, 1, 1]} : vector<25x128x384xf32> to vector<1x128x384xf32>
    %squeeze3A_1011 = vector.shape_cast %slice3A_1010 : vector<1x128x384xf32> to vector<128x384xf32>
    %get3A_1012 = arith.constant 16 : index
    %get3A_1013 = arith.constant 0 : index
    %get3A_1014 = arith.constant 0 : index
    %get3A_1015 = vector.load %arg9[%get3A_1012, %get3A_1013, %get3A_1014] : memref<50x1x384xf32, #tpu.memory_space<vmem>>, vector<1x1x384xf32>
    %get3A_1016 = vector.shape_cast %get3A_1015 : vector<1x1x384xf32> to vector<1x384xf32>
    %add3A_1017 = vector.broadcast %get3A_1016 : vector<1x384xf32> to vector<128x384xf32>
    %add3A_1018 = arith.addf %squeeze3A_1011, %add3A_1017 : vector<128x384xf32>
    %max3A_1019 = arith.constant 0.000000e+00 : f32
    %max3A_1020 = vector.broadcast %max3A_1019 : f32 to vector<128x384xf32>
    %max3A_1021 = arith.maximumf %add3A_1018, %max3A_1020 : vector<128x384xf32>
    %swap3A_1022 = arith.constant 16 : index
    %swap3A_1023 = arith.constant 0 : index
    %swap3A_1024 = arith.constant 0 : index
    %swap3A_1025 = vector.load %arg10[%swap3A_1022, %swap3A_1023, %swap3A_1024] : memref<50x128x384xf32, #tpu.memory_space<vmem>>, vector<1x128x384xf32>
    %swap3A_1026 = vector.shape_cast %swap3A_1025 : vector<1x128x384xf32> to vector<128x384xf32>
    %swap3A_1027 = vector.shape_cast %max3A_1021 : vector<128x384xf32> to vector<1x128x384xf32>
    tpu.vector_store %arg10[%swap3A_1022, %swap3A_1023, %swap3A_1024], %swap3A_1027 {strides = array<i32>} : memref<50x128x384xf32, #tpu.memory_space<vmem>>, vector<1x128x384xf32>,
    %slice3A_1028 = vector.extract_strided_slice %reshape3A_866 {offsets = [9, 0, 0], sizes = [1, 128, 384], strides = [1, 1, 1]} : vector<25x128x384xf32> to vector<1x128x384xf32>
    %squeeze3A_1029 = vector.shape_cast %slice3A_1028 : vector<1x128x384xf32> to vector<128x384xf32>
    %get3A_1030 = arith.constant 18 : index
    %get3A_1031 = arith.constant 0 : index
    %get3A_1032 = arith.constant 0 : index
    %get3A_1033 = vector.load %arg9[%get3A_1030, %get3A_1031, %get3A_1032] : memref<50x1x384xf32, #tpu.memory_space<vmem>>, vector<1x1x384xf32>
    %get3A_1034 = vector.shape_cast %get3A_1033 : vector<1x1x384xf32> to vector<1x384xf32>
    %add3A_1035 = vector.broadcast %get3A_1034 : vector<1x384xf32> to vector<128x384xf32>
    %add3A_1036 = arith.addf %squeeze3A_1029, %add3A_1035 : vector<128x384xf32>
    %max3A_1037 = arith.constant 0.000000e+00 : f32
    %max3A_1038 = vector.broadcast %max3A_1037 : f32 to vector<128x384xf32>
    %max3A_1039 = arith.maximumf %add3A_1036, %max3A_1038 : vector<128x384xf32>
    %swap3A_1040 = arith.constant 18 : index
    %swap3A_1041 = arith.constant 0 : index
    %swap3A_1042 = arith.constant 0 : index
    %swap3A_1043 = vector.load %arg10[%swap3A_1040, %swap3A_1041, %swap3A_1042] : memref<50x128x384xf32, #tpu.memory_space<vmem>>, vector<1x128x384xf32>
    %swap3A_1044 = vector.shape_cast %swap3A_1043 : vector<1x128x384xf32> to vector<128x384xf32>
    %swap3A_1045 = vector.shape_cast %max3A_1039 : vector<128x384xf32> to vector<1x128x384xf32>
    tpu.vector_store %arg10[%swap3A_1040, %swap3A_1041, %swap3A_1042], %swap3A_1045 {strides = array<i32>} : memref<50x128x384xf32, #tpu.memory_space<vmem>>, vector<1x128x384xf32>,
    %slice3A_1046 = vector.extract_strided_slice %reshape3A_866 {offsets = [10, 0, 0], sizes = [1, 128, 384], strides = [1, 1, 1]} : vector<25x128x384xf32> to vector<1x128x384xf32>
    %squeeze3A_1047 = vector.shape_cast %slice3A_1046 : vector<1x128x384xf32> to vector<128x384xf32>
    %get3A_1048 = arith.constant 20 : index
    %get3A_1049 = arith.constant 0 : index
    %get3A_1050 = arith.constant 0 : index
    %get3A_1051 = vector.load %arg9[%get3A_1048, %get3A_1049, %get3A_1050] : memref<50x1x384xf32, #tpu.memory_space<vmem>>, vector<1x1x384xf32>
    %get3A_1052 = vector.shape_cast %get3A_1051 : vector<1x1x384xf32> to vector<1x384xf32>
    %add3A_1053 = vector.broadcast %get3A_1052 : vector<1x384xf32> to vector<128x384xf32>
    %add3A_1054 = arith.addf %squeeze3A_1047, %add3A_1053 : vector<128x384xf32>
    %max3A_1055 = arith.constant 0.000000e+00 : f32
    %max3A_1056 = vector.broadcast %max3A_1055 : f32 to vector<128x384xf32>
    %max3A_1057 = arith.maximumf %add3A_1054, %max3A_1056 : vector<128x384xf32>
    %swap3A_1058 = arith.constant 20 : index
    %swap3A_1059 = arith.constant 0 : index
    %swap3A_1060 = arith.constant 0 : index
    %swap3A_1061 = vector.load %arg10[%swap3A_1058, %swap3A_1059, %swap3A_1060] : memref<50x128x384xf32, #tpu.memory_space<vmem>>, vector<1x128x384xf32>
    %swap3A_1062 = vector.shape_cast %swap3A_1061 : vector<1x128x384xf32> to vector<128x384xf32>
    %swap3A_1063 = vector.shape_cast %max3A_1057 : vector<128x384xf32> to vector<1x128x384xf32>
    tpu.vector_store %arg10[%swap3A_1058, %swap3A_1059, %swap3A_1060], %swap3A_1063 {strides = array<i32>} : memref<50x128x384xf32, #tpu.memory_space<vmem>>, vector<1x128x384xf32>,
    %slice3A_1064 = vector.extract_strided_slice %reshape3A_866 {offsets = [11, 0, 0], sizes = [1, 128, 384], strides = [1, 1, 1]} : vector<25x128x384xf32> to vector<1x128x384xf32>
    %squeeze3A_1065 = vector.shape_cast %slice3A_1064 : vector<1x128x384xf32> to vector<128x384xf32>
    %get3A_1066 = arith.constant 22 : index
    %get3A_1067 = arith.constant 0 : index
    %get3A_1068 = arith.constant 0 : index
    %get3A_1069 = vector.load %arg9[%get3A_1066, %get3A_1067, %get3A_1068] : memref<50x1x384xf32, #tpu.memory_space<vmem>>, vector<1x1x384xf32>
    %get3A_1070 = vector.shape_cast %get3A_1069 : vector<1x1x384xf32> to vector<1x384xf32>
    %add3A_1071 = vector.broadcast %get3A_1070 : vector<1x384xf32> to vector<128x384xf32>
    %add3A_1072 = arith.addf %squeeze3A_1065, %add3A_1071 : vector<128x384xf32>
    %max3A_1073 = arith.constant 0.000000e+00 : f32
    %max3A_1074 = vector.broadcast %max3A_1073 : f32 to vector<128x384xf32>
    %max3A_1075 = arith.maximumf %add3A_1072, %max3A_1074 : vector<128x384xf32>
    %swap3A_1076 = arith.constant 22 : index
    %swap3A_1077 = arith.constant 0 : index
    %swap3A_1078 = arith.constant 0 : index
    %swap3A_1079 = vector.load %arg10[%swap3A_1076, %swap3A_1077, %swap3A_1078] : memref<50x128x384xf32, #tpu.memory_space<vmem>>, vector<1x128x384xf32>
    %swap3A_1080 = vector.shape_cast %swap3A_1079 : vector<1x128x384xf32> to vector<128x384xf32>
    %swap3A_1081 = vector.shape_cast %max3A_1075 : vector<128x384xf32> to vector<1x128x384xf32>
    tpu.vector_store %arg10[%swap3A_1076, %swap3A_1077, %swap3A_1078], %swap3A_1081 {strides = array<i32>} : memref<50x128x384xf32, #tpu.memory_space<vmem>>, vector<1x128x384xf32>,
    %slice3A_1082 = vector.extract_strided_slice %reshape3A_866 {offsets = [12, 0, 0], sizes = [1, 128, 384], strides = [1, 1, 1]} : vector<25x128x384xf32> to vector<1x128x384xf32>
    %squeeze3A_1083 = vector.shape_cast %slice3A_1082 : vector<1x128x384xf32> to vector<128x384xf32>
    %get3A_1084 = arith.constant 24 : index
    %get3A_1085 = arith.constant 0 : index
    %get3A_1086 = arith.constant 0 : index
    %get3A_1087 = vector.load %arg9[%get3A_1084, %get3A_1085, %get3A_1086] : memref<50x1x384xf32, #tpu.memory_space<vmem>>, vector<1x1x384xf32>
    %get3A_1088 = vector.shape_cast %get3A_1087 : vector<1x1x384xf32> to vector<1x384xf32>
    %add3A_1089 = vector.broadcast %get3A_1088 : vector<1x384xf32> to vector<128x384xf32>
    %add3A_1090 = arith.addf %squeeze3A_1083, %add3A_1089 : vector<128x384xf32>
    %max3A_1091 = arith.constant 0.000000e+00 : f32
    %max3A_1092 = vector.broadcast %max3A_1091 : f32 to vector<128x384xf32>
    %max3A_1093 = arith.maximumf %add3A_1090, %max3A_1092 : vector<128x384xf32>
    %swap3A_1094 = arith.constant 24 : index
    %swap3A_1095 = arith.constant 0 : index
    %swap3A_1096 = arith.constant 0 : index
    %swap3A_1097 = vector.load %arg10[%swap3A_1094, %swap3A_1095, %swap3A_1096] : memref<50x128x384xf32, #tpu.memory_space<vmem>>, vector<1x128x384xf32>
    %swap3A_1098 = vector.shape_cast %swap3A_1097 : vector<1x128x384xf32> to vector<128x384xf32>
    %swap3A_1099 = vector.shape_cast %max3A_1093 : vector<128x384xf32> to vector<1x128x384xf32>
    tpu.vector_store %arg10[%swap3A_1094, %swap3A_1095, %swap3A_1096], %swap3A_1099 {strides = array<i32>} : memref<50x128x384xf32, #tpu.memory_space<vmem>>, vector<1x128x384xf32>,
    %slice3A_1100 = vector.extract_strided_slice %reshape3A_866 {offsets = [13, 0, 0], sizes = [1, 128, 384], strides = [1, 1, 1]} : vector<25x128x384xf32> to vector<1x128x384xf32>
    %squeeze3A_1101 = vector.shape_cast %slice3A_1100 : vector<1x128x384xf32> to vector<128x384xf32>
    %get3A_1102 = arith.constant 26 : index
    %get3A_1103 = arith.constant 0 : index
    %get3A_1104 = arith.constant 0 : index
    %get3A_1105 = vector.load %arg9[%get3A_1102, %get3A_1103, %get3A_1104] : memref<50x1x384xf32, #tpu.memory_space<vmem>>, vector<1x1x384xf32>
    %get3A_1106 = vector.shape_cast %get3A_1105 : vector<1x1x384xf32> to vector<1x384xf32>
    %add3A_1107 = vector.broadcast %get3A_1106 : vector<1x384xf32> to vector<128x384xf32>
    %add3A_1108 = arith.addf %squeeze3A_1101, %add3A_1107 : vector<128x384xf32>
    %max3A_1109 = arith.constant 0.000000e+00 : f32
    %max3A_1110 = vector.broadcast %max3A_1109 : f32 to vector<128x384xf32>
    %max3A_1111 = arith.maximumf %add3A_1108, %max3A_1110 : vector<128x384xf32>
    %swap3A_1112 = arith.constant 26 : index
    %swap3A_1113 = arith.constant 0 : index
    %swap3A_1114 = arith.constant 0 : index
    %swap3A_1115 = vector.load %arg10[%swap3A_1112, %swap3A_1113, %swap3A_1114] : memref<50x128x384xf32, #tpu.memory_space<vmem>>, vector<1x128x384xf32>
    %swap3A_1116 = vector.shape_cast %swap3A_1115 : vector<1x128x384xf32> to vector<128x384xf32>
    %swap3A_1117 = vector.shape_cast %max3A_1111 : vector<128x384xf32> to vector<1x128x384xf32>
    tpu.vector_store %arg10[%swap3A_1112, %swap3A_1113, %swap3A_1114], %swap3A_1117 {strides = array<i32>} : memref<50x128x384xf32, #tpu.memory_space<vmem>>, vector<1x128x384xf32>,
    %slice3A_1118 = vector.extract_strided_slice %reshape3A_866 {offsets = [14, 0, 0], sizes = [1, 128, 384], strides = [1, 1, 1]} : vector<25x128x384xf32> to vector<1x128x384xf32>
    %squeeze3A_1119 = vector.shape_cast %slice3A_1118 : vector<1x128x384xf32> to vector<128x384xf32>
    %get3A_1120 = arith.constant 28 : index
    %get3A_1121 = arith.constant 0 : index
    %get3A_1122 = arith.constant 0 : index
    %get3A_1123 = vector.load %arg9[%get3A_1120, %get3A_1121, %get3A_1122] : memref<50x1x384xf32, #tpu.memory_space<vmem>>, vector<1x1x384xf32>
    %get3A_1124 = vector.shape_cast %get3A_1123 : vector<1x1x384xf32> to vector<1x384xf32>
    %add3A_1125 = vector.broadcast %get3A_1124 : vector<1x384xf32> to vector<128x384xf32>
    %add3A_1126 = arith.addf %squeeze3A_1119, %add3A_1125 : vector<128x384xf32>
    %max3A_1127 = arith.constant 0.000000e+00 : f32
    %max3A_1128 = vector.broadcast %max3A_1127 : f32 to vector<128x384xf32>
    %max3A_1129 = arith.maximumf %add3A_1126, %max3A_1128 : vector<128x384xf32>
    %swap3A_1130 = arith.constant 28 : index
    %swap3A_1131 = arith.constant 0 : index
    %swap3A_1132 = arith.constant 0 : index
    %swap3A_1133 = vector.load %arg10[%swap3A_1130, %swap3A_1131, %swap3A_1132] : memref<50x128x384xf32, #tpu.memory_space<vmem>>, vector<1x128x384xf32>
    %swap3A_1134 = vector.shape_cast %swap3A_1133 : vector<1x128x384xf32> to vector<128x384xf32>
    %swap3A_1135 = vector.shape_cast %max3A_1129 : vector<128x384xf32> to vector<1x128x384xf32>
    tpu.vector_store %arg10[%swap3A_1130, %swap3A_1131, %swap3A_1132], %swap3A_1135 {strides = array<i32>} : memref<50x128x384xf32, #tpu.memory_space<vmem>>, vector<1x128x384xf32>,
    %slice3A_1136 = vector.extract_strided_slice %reshape3A_866 {offsets = [15, 0, 0], sizes = [1, 128, 384], strides = [1, 1, 1]} : vector<25x128x384xf32> to vector<1x128x384xf32>
    %squeeze3A_1137 = vector.shape_cast %slice3A_1136 : vector<1x128x384xf32> to vector<128x384xf32>
    %get3A_1138 = arith.constant 30 : index
    %get3A_1139 = arith.constant 0 : index
    %get3A_1140 = arith.constant 0 : index
    %get3A_1141 = vector.load %arg9[%get3A_1138, %get3A_1139, %get3A_1140] : memref<50x1x384xf32, #tpu.memory_space<vmem>>, vector<1x1x384xf32>
    %get3A_1142 = vector.shape_cast %get3A_1141 : vector<1x1x384xf32> to vector<1x384xf32>
    %add3A_1143 = vector.broadcast %get3A_1142 : vector<1x384xf32> to vector<128x384xf32>
    %add3A_1144 = arith.addf %squeeze3A_1137, %add3A_1143 : vector<128x384xf32>
    %max3A_1145 = arith.constant 0.000000e+00 : f32
    %max3A_1146 = vector.broadcast %max3A_1145 : f32 to vector<128x384xf32>
    %max3A_1147 = arith.maximumf %add3A_1144, %max3A_1146 : vector<128x384xf32>
    %swap3A_1148 = arith.constant 30 : index
    %swap3A_1149 = arith.constant 0 : index
    %swap3A_1150 = arith.constant 0 : index
    %swap3A_1151 = vector.load %arg10[%swap3A_1148, %swap3A_1149, %swap3A_1150] : memref<50x128x384xf32, #tpu.memory_space<vmem>>, vector<1x128x384xf32>
    %swap3A_1152 = vector.shape_cast %swap3A_1151 : vector<1x128x384xf32> to vector<128x384xf32>
    %swap3A_1153 = vector.shape_cast %max3A_1147 : vector<128x384xf32> to vector<1x128x384xf32>
    tpu.vector_store %arg10[%swap3A_1148, %swap3A_1149, %swap3A_1150], %swap3A_1153 {strides = array<i32>} : memref<50x128x384xf32, #tpu.memory_space<vmem>>, vector<1x128x384xf32>,
    %slice3A_1154 = vector.extract_strided_slice %reshape3A_866 {offsets = [16, 0, 0], sizes = [1, 128, 384], strides = [1, 1, 1]} : vector<25x128x384xf32> to vector<1x128x384xf32>
    %squeeze3A_1155 = vector.shape_cast %slice3A_1154 : vector<1x128x384xf32> to vector<128x384xf32>
    %get3A_1156 = arith.constant 32 : index
    %get3A_1157 = arith.constant 0 : index
    %get3A_1158 = arith.constant 0 : index
    %get3A_1159 = vector.load %arg9[%get3A_1156, %get3A_1157, %get3A_1158] : memref<50x1x384xf32, #tpu.memory_space<vmem>>, vector<1x1x384xf32>
    %get3A_1160 = vector.shape_cast %get3A_1159 : vector<1x1x384xf32> to vector<1x384xf32>
    %add3A_1161 = vector.broadcast %get3A_1160 : vector<1x384xf32> to vector<128x384xf32>
    %add3A_1162 = arith.addf %squeeze3A_1155, %add3A_1161 : vector<128x384xf32>
    %max3A_1163 = arith.constant 0.000000e+00 : f32
    %max3A_1164 = vector.broadcast %max3A_1163 : f32 to vector<128x384xf32>
    %max3A_1165 = arith.maximumf %add3A_1162, %max3A_1164 : vector<128x384xf32>
    %swap3A_1166 = arith.constant 32 : index
    %swap3A_1167 = arith.constant 0 : index
    %swap3A_1168 = arith.constant 0 : index
    %swap3A_1169 = vector.load %arg10[%swap3A_1166, %swap3A_1167, %swap3A_1168] : memref<50x128x384xf32, #tpu.memory_space<vmem>>, vector<1x128x384xf32>
    %swap3A_1170 = vector.shape_cast %swap3A_1169 : vector<1x128x384xf32> to vector<128x384xf32>
    %swap3A_1171 = vector.shape_cast %max3A_1165 : vector<128x384xf32> to vector<1x128x384xf32>
    tpu.vector_store %arg10[%swap3A_1166, %swap3A_1167, %swap3A_1168], %swap3A_1171 {strides = array<i32>} : memref<50x128x384xf32, #tpu.memory_space<vmem>>, vector<1x128x384xf32>,
    %slice3A_1172 = vector.extract_strided_slice %reshape3A_866 {offsets = [17, 0, 0], sizes = [1, 128, 384], strides = [1, 1, 1]} : vector<25x128x384xf32> to vector<1x128x384xf32>
    %squeeze3A_1173 = vector.shape_cast %slice3A_1172 : vector<1x128x384xf32> to vector<128x384xf32>
    %get3A_1174 = arith.constant 34 : index
    %get3A_1175 = arith.constant 0 : index
    %get3A_1176 = arith.constant 0 : index
    %get3A_1177 = vector.load %arg9[%get3A_1174, %get3A_1175, %get3A_1176] : memref<50x1x384xf32, #tpu.memory_space<vmem>>, vector<1x1x384xf32>
    %get3A_1178 = vector.shape_cast %get3A_1177 : vector<1x1x384xf32> to vector<1x384xf32>
    %add3A_1179 = vector.broadcast %get3A_1178 : vector<1x384xf32> to vector<128x384xf32>
    %add3A_1180 = arith.addf %squeeze3A_1173, %add3A_1179 : vector<128x384xf32>
    %max3A_1181 = arith.constant 0.000000e+00 : f32
    %max3A_1182 = vector.broadcast %max3A_1181 : f32 to vector<128x384xf32>
    %max3A_1183 = arith.maximumf %add3A_1180, %max3A_1182 : vector<128x384xf32>
    %swap3A_1184 = arith.constant 34 : index
    %swap3A_1185 = arith.constant 0 : index
    %swap3A_1186 = arith.constant 0 : index
    %swap3A_1187 = vector.load %arg10[%swap3A_1184, %swap3A_1185, %swap3A_1186] : memref<50x128x384xf32, #tpu.memory_space<vmem>>, vector<1x128x384xf32>
    %swap3A_1188 = vector.shape_cast %swap3A_1187 : vector<1x128x384xf32> to vector<128x384xf32>
    %swap3A_1189 = vector.shape_cast %max3A_1183 : vector<128x384xf32> to vector<1x128x384xf32>
    tpu.vector_store %arg10[%swap3A_1184, %swap3A_1185, %swap3A_1186], %swap3A_1189 {strides = array<i32>} : memref<50x128x384xf32, #tpu.memory_space<vmem>>, vector<1x128x384xf32>,
    %slice3A_1190 = vector.extract_strided_slice %reshape3A_866 {offsets = [18, 0, 0], sizes = [1, 128, 384], strides = [1, 1, 1]} : vector<25x128x384xf32> to vector<1x128x384xf32>
    %squeeze3A_1191 = vector.shape_cast %slice3A_1190 : vector<1x128x384xf32> to vector<128x384xf32>
    %get3A_1192 = arith.constant 36 : index
    %get3A_1193 = arith.constant 0 : index
    %get3A_1194 = arith.constant 0 : index
    %get3A_1195 = vector.load %arg9[%get3A_1192, %get3A_1193, %get3A_1194] : memref<50x1x384xf32, #tpu.memory_space<vmem>>, vector<1x1x384xf32>
    %get3A_1196 = vector.shape_cast %get3A_1195 : vector<1x1x384xf32> to vector<1x384xf32>
    %add3A_1197 = vector.broadcast %get3A_1196 : vector<1x384xf32> to vector<128x384xf32>
    %add3A_1198 = arith.addf %squeeze3A_1191, %add3A_1197 : vector<128x384xf32>
    %max3A_1199 = arith.constant 0.000000e+00 : f32
    %max3A_1200 = vector.broadcast %max3A_1199 : f32 to vector<128x384xf32>
    %max3A_1201 = arith.maximumf %add3A_1198, %max3A_1200 : vector<128x384xf32>
    %swap3A_1202 = arith.constant 36 : index
    %swap3A_1203 = arith.constant 0 : index
    %swap3A_1204 = arith.constant 0 : index
    %swap3A_1205 = vector.load %arg10[%swap3A_1202, %swap3A_1203, %swap3A_1204] : memref<50x128x384xf32, #tpu.memory_space<vmem>>, vector<1x128x384xf32>
    %swap3A_1206 = vector.shape_cast %swap3A_1205 : vector<1x128x384xf32> to vector<128x384xf32>
    %swap3A_1207 = vector.shape_cast %max3A_1201 : vector<128x384xf32> to vector<1x128x384xf32>
    tpu.vector_store %arg10[%swap3A_1202, %swap3A_1203, %swap3A_1204], %swap3A_1207 {strides = array<i32>} : memref<50x128x384xf32, #tpu.memory_space<vmem>>, vector<1x128x384xf32>,
    %slice3A_1208 = vector.extract_strided_slice %reshape3A_866 {offsets = [19, 0, 0], sizes = [1, 128, 384], strides = [1, 1, 1]} : vector<25x128x384xf32> to vector<1x128x384xf32>
    %squeeze3A_1209 = vector.shape_cast %slice3A_1208 : vector<1x128x384xf32> to vector<128x384xf32>
    %get3A_1210 = arith.constant 38 : index
    %get3A_1211 = arith.constant 0 : index
    %get3A_1212 = arith.constant 0 : index
    %get3A_1213 = vector.load %arg9[%get3A_1210, %get3A_1211, %get3A_1212] : memref<50x1x384xf32, #tpu.memory_space<vmem>>, vector<1x1x384xf32>
    %get3A_1214 = vector.shape_cast %get3A_1213 : vector<1x1x384xf32> to vector<1x384xf32>
    %add3A_1215 = vector.broadcast %get3A_1214 : vector<1x384xf32> to vector<128x384xf32>
    %add3A_1216 = arith.addf %squeeze3A_1209, %add3A_1215 : vector<128x384xf32>
    %max3A_1217 = arith.constant 0.000000e+00 : f32
    %max3A_1218 = vector.broadcast %max3A_1217 : f32 to vector<128x384xf32>
    %max3A_1219 = arith.maximumf %add3A_1216, %max3A_1218 : vector<128x384xf32>
    %swap3A_1220 = arith.constant 38 : index
    %swap3A_1221 = arith.constant 0 : index
    %swap3A_1222 = arith.constant 0 : index
    %swap3A_1223 = vector.load %arg10[%swap3A_1220, %swap3A_1221, %swap3A_1222] : memref<50x128x384xf32, #tpu.memory_space<vmem>>, vector<1x128x384xf32>
    %swap3A_1224 = vector.shape_cast %swap3A_1223 : vector<1x128x384xf32> to vector<128x384xf32>
    %swap3A_1225 = vector.shape_cast %max3A_1219 : vector<128x384xf32> to vector<1x128x384xf32>
    tpu.vector_store %arg10[%swap3A_1220, %swap3A_1221, %swap3A_1222], %swap3A_1225 {strides = array<i32>} : memref<50x128x384xf32, #tpu.memory_space<vmem>>, vector<1x128x384xf32>,
    %slice3A_1226 = vector.extract_strided_slice %reshape3A_866 {offsets = [20, 0, 0], sizes = [1, 128, 384], strides = [1, 1, 1]} : vector<25x128x384xf32> to vector<1x128x384xf32>
    %squeeze3A_1227 = vector.shape_cast %slice3A_1226 : vector<1x128x384xf32> to vector<128x384xf32>
    %get3A_1228 = arith.constant 40 : index
    %get3A_1229 = arith.constant 0 : index
    %get3A_1230 = arith.constant 0 : index
    %get3A_1231 = vector.load %arg9[%get3A_1228, %get3A_1229, %get3A_1230] : memref<50x1x384xf32, #tpu.memory_space<vmem>>, vector<1x1x384xf32>
    %get3A_1232 = vector.shape_cast %get3A_1231 : vector<1x1x384xf32> to vector<1x384xf32>
    %add3A_1233 = vector.broadcast %get3A_1232 : vector<1x384xf32> to vector<128x384xf32>
    %add3A_1234 = arith.addf %squeeze3A_1227, %add3A_1233 : vector<128x384xf32>
    %max3A_1235 = arith.constant 0.000000e+00 : f32
    %max3A_1236 = vector.broadcast %max3A_1235 : f32 to vector<128x384xf32>
    %max3A_1237 = arith.maximumf %add3A_1234, %max3A_1236 : vector<128x384xf32>
    %swap3A_1238 = arith.constant 40 : index
    %swap3A_1239 = arith.constant 0 : index
    %swap3A_1240 = arith.constant 0 : index
    %swap3A_1241 = vector.load %arg10[%swap3A_1238, %swap3A_1239, %swap3A_1240] : memref<50x128x384xf32, #tpu.memory_space<vmem>>, vector<1x128x384xf32>
    %swap3A_1242 = vector.shape_cast %swap3A_1241 : vector<1x128x384xf32> to vector<128x384xf32>
    %swap3A_1243 = vector.shape_cast %max3A_1237 : vector<128x384xf32> to vector<1x128x384xf32>
    tpu.vector_store %arg10[%swap3A_1238, %swap3A_1239, %swap3A_1240], %swap3A_1243 {strides = array<i32>} : memref<50x128x384xf32, #tpu.memory_space<vmem>>, vector<1x128x384xf32>,
    %slice3A_1244 = vector.extract_strided_slice %reshape3A_866 {offsets = [21, 0, 0], sizes = [1, 128, 384], strides = [1, 1, 1]} : vector<25x128x384xf32> to vector<1x128x384xf32>
    %squeeze3A_1245 = vector.shape_cast %slice3A_1244 : vector<1x128x384xf32> to vector<128x384xf32>
    %get3A_1246 = arith.constant 42 : index
    %get3A_1247 = arith.constant 0 : index
    %get3A_1248 = arith.constant 0 : index
    %get3A_1249 = vector.load %arg9[%get3A_1246, %get3A_1247, %get3A_1248] : memref<50x1x384xf32, #tpu.memory_space<vmem>>, vector<1x1x384xf32>
    %get3A_1250 = vector.shape_cast %get3A_1249 : vector<1x1x384xf32> to vector<1x384xf32>
    %add3A_1251 = vector.broadcast %get3A_1250 : vector<1x384xf32> to vector<128x384xf32>
    %add3A_1252 = arith.addf %squeeze3A_1245, %add3A_1251 : vector<128x384xf32>
    %max3A_1253 = arith.constant 0.000000e+00 : f32
    %max3A_1254 = vector.broadcast %max3A_1253 : f32 to vector<128x384xf32>
    %max3A_1255 = arith.maximumf %add3A_1252, %max3A_1254 : vector<128x384xf32>
    %swap3A_1256 = arith.constant 42 : index
    %swap3A_1257 = arith.constant 0 : index
    %swap3A_1258 = arith.constant 0 : index
    %swap3A_1259 = vector.load %arg10[%swap3A_1256, %swap3A_1257, %swap3A_1258] : memref<50x128x384xf32, #tpu.memory_space<vmem>>, vector<1x128x384xf32>
    %swap3A_1260 = vector.shape_cast %swap3A_1259 : vector<1x128x384xf32> to vector<128x384xf32>
    %swap3A_1261 = vector.shape_cast %max3A_1255 : vector<128x384xf32> to vector<1x128x384xf32>
    tpu.vector_store %arg10[%swap3A_1256, %swap3A_1257, %swap3A_1258], %swap3A_1261 {strides = array<i32>} : memref<50x128x384xf32, #tpu.memory_space<vmem>>, vector<1x128x384xf32>,
    %slice3A_1262 = vector.extract_strided_slice %reshape3A_866 {offsets = [22, 0, 0], sizes = [1, 128, 384], strides = [1, 1, 1]} : vector<25x128x384xf32> to vector<1x128x384xf32>
    %squeeze3A_1263 = vector.shape_cast %slice3A_1262 : vector<1x128x384xf32> to vector<128x384xf32>
    %get3A_1264 = arith.constant 44 : index
    %get3A_1265 = arith.constant 0 : index
    %get3A_1266 = arith.constant 0 : index
    %get3A_1267 = vector.load %arg9[%get3A_1264, %get3A_1265, %get3A_1266] : memref<50x1x384xf32, #tpu.memory_space<vmem>>, vector<1x1x384xf32>
    %get3A_1268 = vector.shape_cast %get3A_1267 : vector<1x1x384xf32> to vector<1x384xf32>
    %add3A_1269 = vector.broadcast %get3A_1268 : vector<1x384xf32> to vector<128x384xf32>
    %add3A_1270 = arith.addf %squeeze3A_1263, %add3A_1269 : vector<128x384xf32>
    %max3A_1271 = arith.constant 0.000000e+00 : f32
    %max3A_1272 = vector.broadcast %max3A_1271 : f32 to vector<128x384xf32>
    %max3A_1273 = arith.maximumf %add3A_1270, %max3A_1272 : vector<128x384xf32>
    %swap3A_1274 = arith.constant 44 : index
    %swap3A_1275 = arith.constant 0 : index
    %swap3A_1276 = arith.constant 0 : index
    %swap3A_1277 = vector.load %arg10[%swap3A_1274, %swap3A_1275, %swap3A_1276] : memref<50x128x384xf32, #tpu.memory_space<vmem>>, vector<1x128x384xf32>
    %swap3A_1278 = vector.shape_cast %swap3A_1277 : vector<1x128x384xf32> to vector<128x384xf32>
    %swap3A_1279 = vector.shape_cast %max3A_1273 : vector<128x384xf32> to vector<1x128x384xf32>
    tpu.vector_store %arg10[%swap3A_1274, %swap3A_1275, %swap3A_1276], %swap3A_1279 {strides = array<i32>} : memref<50x128x384xf32, #tpu.memory_space<vmem>>, vector<1x128x384xf32>,
    %slice3A_1280 = vector.extract_strided_slice %reshape3A_866 {offsets = [23, 0, 0], sizes = [1, 128, 384], strides = [1, 1, 1]} : vector<25x128x384xf32> to vector<1x128x384xf32>
    %squeeze3A_1281 = vector.shape_cast %slice3A_1280 : vector<1x128x384xf32> to vector<128x384xf32>
    %get3A_1282 = arith.constant 46 : index
    %get3A_1283 = arith.constant 0 : index
    %get3A_1284 = arith.constant 0 : index
    %get3A_1285 = vector.load %arg9[%get3A_1282, %get3A_1283, %get3A_1284] : memref<50x1x384xf32, #tpu.memory_space<vmem>>, vector<1x1x384xf32>
    %get3A_1286 = vector.shape_cast %get3A_1285 : vector<1x1x384xf32> to vector<1x384xf32>
    %add3A_1287 = vector.broadcast %get3A_1286 : vector<1x384xf32> to vector<128x384xf32>
    %add3A_1288 = arith.addf %squeeze3A_1281, %add3A_1287 : vector<128x384xf32>
    %max3A_1289 = arith.constant 0.000000e+00 : f32
    %max3A_1290 = vector.broadcast %max3A_1289 : f32 to vector<128x384xf32>
    %max3A_1291 = arith.maximumf %add3A_1288, %max3A_1290 : vector<128x384xf32>
    %swap3A_1292 = arith.constant 46 : index
    %swap3A_1293 = arith.constant 0 : index
    %swap3A_1294 = arith.constant 0 : index
    %swap3A_1295 = vector.load %arg10[%swap3A_1292, %swap3A_1293, %swap3A_1294] : memref<50x128x384xf32, #tpu.memory_space<vmem>>, vector<1x128x384xf32>
    %swap3A_1296 = vector.shape_cast %swap3A_1295 : vector<1x128x384xf32> to vector<128x384xf32>
    %swap3A_1297 = vector.shape_cast %max3A_1291 : vector<128x384xf32> to vector<1x128x384xf32>
    tpu.vector_store %arg10[%swap3A_1292, %swap3A_1293, %swap3A_1294], %swap3A_1297 {strides = array<i32>} : memref<50x128x384xf32, #tpu.memory_space<vmem>>, vector<1x128x384xf32>,
    %slice3A_1298 = vector.extract_strided_slice %reshape3A_866 {offsets = [24, 0, 0], sizes = [1, 128, 384], strides = [1, 1, 1]} : vector<25x128x384xf32> to vector<1x128x384xf32>
    %squeeze3A_1299 = vector.shape_cast %slice3A_1298 : vector<1x128x384xf32> to vector<128x384xf32>
    %get3A_1300 = arith.constant 48 : index
    %get3A_1301 = arith.constant 0 : index
    %get3A_1302 = arith.constant 0 : index
    %get3A_1303 = vector.load %arg9[%get3A_1300, %get3A_1301, %get3A_1302] : memref<50x1x384xf32, #tpu.memory_space<vmem>>, vector<1x1x384xf32>
    %get3A_1304 = vector.shape_cast %get3A_1303 : vector<1x1x384xf32> to vector<1x384xf32>
    %add3A_1305 = vector.broadcast %get3A_1304 : vector<1x384xf32> to vector<128x384xf32>
    %add3A_1306 = arith.addf %squeeze3A_1299, %add3A_1305 : vector<128x384xf32>
    %max3A_1307 = arith.constant 0.000000e+00 : f32
    %max3A_1308 = vector.broadcast %max3A_1307 : f32 to vector<128x384xf32>
    %max3A_1309 = arith.maximumf %add3A_1306, %max3A_1308 : vector<128x384xf32>
    %swap3A_1310 = arith.constant 48 : index
    %swap3A_1311 = arith.constant 0 : index
    %swap3A_1312 = arith.constant 0 : index
    %swap3A_1313 = vector.load %arg10[%swap3A_1310, %swap3A_1311, %swap3A_1312] : memref<50x128x384xf32, #tpu.memory_space<vmem>>, vector<1x128x384xf32>
    %swap3A_1314 = vector.shape_cast %swap3A_1313 : vector<1x128x384xf32> to vector<128x384xf32>
    %swap3A_1315 = vector.shape_cast %max3A_1309 : vector<128x384xf32> to vector<1x128x384xf32>
    tpu.vector_store %arg10[%swap3A_1310, %swap3A_1311, %swap3A_1312], %swap3A_1315 {strides = array<i32>} : memref<50x128x384xf32, #tpu.memory_space<vmem>>, vector<1x128x384xf32>,
    %get3A_1316 = arith.constant 0 : index
    %get3A_1317 = arith.constant 1 : index
    %get3A_1318 = arith.constant 0 : index
    %get3A_1319 = arith.constant 0 : index
    %get3A_1320 = vector.load %arg8[%get3A_1316, %get3A_1317, %get3A_1318, %get3A_1319] : memref<3x2x256x384xbf16, #tpu.memory_space<vmem>>, vector<1x1x256x384xbf16>
    %get3A_1321 = vector.shape_cast %get3A_1320 : vector<1x1x256x384xbf16> to vector<256x384xbf16>
    %dot_general3A_1322 = arith.constant dense<0.000000e+00> : vector<3200x384xf32>
    %dot_general3A_1323 = tpu.matmul %reshape3A_838, %get3A_1321, %dot_general3A_1322 {dimension_numbers = #tpu.dot_dimension_numbers<[1], [0], [0], [1], [0, 0, 1, 1], [], []>, transpose_lhs_hint = false} : vector<3200x256xbf16>, vector<256x384xbf16>, vector<3200x384xf32> -> vector<3200x384xf32>
    %get3A_1324 = arith.constant 2 : index
    %get3A_1325 = arith.constant 1 : index
    %get3A_1326 = arith.constant 0 : index
    %get3A_1327 = arith.constant 0 : index
    %get3A_1328 = vector.load %arg8[%get3A_1324, %get3A_1325, %get3A_1326, %get3A_1327] : memref<3x2x256x384xbf16, #tpu.memory_space<vmem>>, vector<1x1x256x384xbf16>
    %get3A_1329 = vector.shape_cast %get3A_1328 : vector<1x1x256x384xbf16> to vector<256x384xbf16>
    %dot_general3A_1330 = arith.constant dense<0.000000e+00> : vector<3200x384xf32>
    %dot_general3A_1331 = tpu.matmul %reshape3A_848, %get3A_1329, %dot_general3A_1330 {dimension_numbers = #tpu.dot_dimension_numbers<[1], [0], [0], [1], [0, 0, 1, 1], [], []>, transpose_lhs_hint = false} : vector<3200x256xbf16>, vector<256x384xbf16>, vector<3200x384xf32> -> vector<3200x384xf32>
    %add3A_1332 = arith.addf %dot_general3A_1323, %dot_general3A_1331 : vector<3200x384xf32>
    %reshape3A_1333 = vector.shape_cast %add3A_1332 : vector<3200x384xf32> to vector<25x128x384xf32>
    %slice3A_1334 = vector.extract_strided_slice %reshape3A_1333 {offsets = [0, 0, 0], sizes = [1, 128, 384], strides = [1, 1, 1]} : vector<25x128x384xf32> to vector<1x128x384xf32>
    %squeeze3A_1335 = vector.shape_cast %slice3A_1334 : vector<1x128x384xf32> to vector<128x384xf32>
    %get3A_1336 = arith.constant 1 : index
    %get3A_1337 = arith.constant 0 : index
    %get3A_1338 = arith.constant 0 : index
    %get3A_1339 = vector.load %arg9[%get3A_1336, %get3A_1337, %get3A_1338] : memref<50x1x384xf32, #tpu.memory_space<vmem>>, vector<1x1x384xf32>
    %get3A_1340 = vector.shape_cast %get3A_1339 : vector<1x1x384xf32> to vector<1x384xf32>
    %add3A_1341 = vector.broadcast %get3A_1340 : vector<1x384xf32> to vector<128x384xf32>
    %add3A_1342 = arith.addf %squeeze3A_1335, %add3A_1341 : vector<128x384xf32>
    %max3A_1343 = arith.constant 0.000000e+00 : f32
    %max3A_1344 = vector.broadcast %max3A_1343 : f32 to vector<128x384xf32>
    %max3A_1345 = arith.maximumf %add3A_1342, %max3A_1344 : vector<128x384xf32>
    %swap3A_1346 = arith.constant 1 : index
    %swap3A_1347 = arith.constant 0 : index
    %swap3A_1348 = arith.constant 0 : index
    %swap3A_1349 = vector.load %arg10[%swap3A_1346, %swap3A_1347, %swap3A_1348] : memref<50x128x384xf32, #tpu.memory_space<vmem>>, vector<1x128x384xf32>
    %swap3A_1350 = vector.shape_cast %swap3A_1349 : vector<1x128x384xf32> to vector<128x384xf32>
    %swap3A_1351 = vector.shape_cast %max3A_1345 : vector<128x384xf32> to vector<1x128x384xf32>
    tpu.vector_store %arg10[%swap3A_1346, %swap3A_1347, %swap3A_1348], %swap3A_1351 {strides = array<i32>} : memref<50x128x384xf32, #tpu.memory_space<vmem>>, vector<1x128x384xf32>,
    %slice3A_1352 = vector.extract_strided_slice %reshape3A_1333 {offsets = [1, 0, 0], sizes = [1, 128, 384], strides = [1, 1, 1]} : vector<25x128x384xf32> to vector<1x128x384xf32>
    %squeeze3A_1353 = vector.shape_cast %slice3A_1352 : vector<1x128x384xf32> to vector<128x384xf32>
    %get3A_1354 = arith.constant 3 : index
    %get3A_1355 = arith.constant 0 : index
    %get3A_1356 = arith.constant 0 : index
    %get3A_1357 = vector.load %arg9[%get3A_1354, %get3A_1355, %get3A_1356] : memref<50x1x384xf32, #tpu.memory_space<vmem>>, vector<1x1x384xf32>
    %get3A_1358 = vector.shape_cast %get3A_1357 : vector<1x1x384xf32> to vector<1x384xf32>
    %add3A_1359 = vector.broadcast %get3A_1358 : vector<1x384xf32> to vector<128x384xf32>
    %add3A_1360 = arith.addf %squeeze3A_1353, %add3A_1359 : vector<128x384xf32>
    %max3A_1361 = arith.constant 0.000000e+00 : f32
    %max3A_1362 = vector.broadcast %max3A_1361 : f32 to vector<128x384xf32>
    %max3A_1363 = arith.maximumf %add3A_1360, %max3A_1362 : vector<128x384xf32>
    %swap3A_1364 = arith.constant 3 : index
    %swap3A_1365 = arith.constant 0 : index
    %swap3A_1366 = arith.constant 0 : index
    %swap3A_1367 = vector.load %arg10[%swap3A_1364, %swap3A_1365, %swap3A_1366] : memref<50x128x384xf32, #tpu.memory_space<vmem>>, vector<1x128x384xf32>
    %swap3A_1368 = vector.shape_cast %swap3A_1367 : vector<1x128x384xf32> to vector<128x384xf32>
    %swap3A_1369 = vector.shape_cast %max3A_1363 : vector<128x384xf32> to vector<1x128x384xf32>
    tpu.vector_store %arg10[%swap3A_1364, %swap3A_1365, %swap3A_1366], %swap3A_1369 {strides = array<i32>} : memref<50x128x384xf32, #tpu.memory_space<vmem>>, vector<1x128x384xf32>,
    %slice3A_1370 = vector.extract_strided_slice %reshape3A_1333 {offsets = [2, 0, 0], sizes = [1, 128, 384], strides = [1, 1, 1]} : vector<25x128x384xf32> to vector<1x128x384xf32>
    %squeeze3A_1371 = vector.shape_cast %slice3A_1370 : vector<1x128x384xf32> to vector<128x384xf32>
    %get3A_1372 = arith.constant 5 : index
    %get3A_1373 = arith.constant 0 : index
    %get3A_1374 = arith.constant 0 : index
    %get3A_1375 = vector.load %arg9[%get3A_1372, %get3A_1373, %get3A_1374] : memref<50x1x384xf32, #tpu.memory_space<vmem>>, vector<1x1x384xf32>
    %get3A_1376 = vector.shape_cast %get3A_1375 : vector<1x1x384xf32> to vector<1x384xf32>
    %add3A_1377 = vector.broadcast %get3A_1376 : vector<1x384xf32> to vector<128x384xf32>
    %add3A_1378 = arith.addf %squeeze3A_1371, %add3A_1377 : vector<128x384xf32>
    %max3A_1379 = arith.constant 0.000000e+00 : f32
    %max3A_1380 = vector.broadcast %max3A_1379 : f32 to vector<128x384xf32>
    %max3A_1381 = arith.maximumf %add3A_1378, %max3A_1380 : vector<128x384xf32>
    %swap3A_1382 = arith.constant 5 : index
    %swap3A_1383 = arith.constant 0 : index
    %swap3A_1384 = arith.constant 0 : index
    %swap3A_1385 = vector.load %arg10[%swap3A_1382, %swap3A_1383, %swap3A_1384] : memref<50x128x384xf32, #tpu.memory_space<vmem>>, vector<1x128x384xf32>
    %swap3A_1386 = vector.shape_cast %swap3A_1385 : vector<1x128x384xf32> to vector<128x384xf32>
    %swap3A_1387 = vector.shape_cast %max3A_1381 : vector<128x384xf32> to vector<1x128x384xf32>
    tpu.vector_store %arg10[%swap3A_1382, %swap3A_1383, %swap3A_1384], %swap3A_1387 {strides = array<i32>} : memref<50x128x384xf32, #tpu.memory_space<vmem>>, vector<1x128x384xf32>,
    %slice3A_1388 = vector.extract_strided_slice %reshape3A_1333 {offsets = [3, 0, 0], sizes = [1, 128, 384], strides = [1, 1, 1]} : vector<25x128x384xf32> to vector<1x128x384xf32>
    %squeeze3A_1389 = vector.shape_cast %slice3A_1388 : vector<1x128x384xf32> to vector<128x384xf32>
    %get3A_1390 = arith.constant 7 : index
    %get3A_1391 = arith.constant 0 : index
    %get3A_1392 = arith.constant 0 : index
    %get3A_1393 = vector.load %arg9[%get3A_1390, %get3A_1391, %get3A_1392] : memref<50x1x384xf32, #tpu.memory_space<vmem>>, vector<1x1x384xf32>
    %get3A_1394 = vector.shape_cast %get3A_1393 : vector<1x1x384xf32> to vector<1x384xf32>
    %add3A_1395 = vector.broadcast %get3A_1394 : vector<1x384xf32> to vector<128x384xf32>
    %add3A_1396 = arith.addf %squeeze3A_1389, %add3A_1395 : vector<128x384xf32>
    %max3A_1397 = arith.constant 0.000000e+00 : f32
    %max3A_1398 = vector.broadcast %max3A_1397 : f32 to vector<128x384xf32>
    %max3A_1399 = arith.maximumf %add3A_1396, %max3A_1398 : vector<128x384xf32>
    %swap3A_1400 = arith.constant 7 : index
    %swap3A_1401 = arith.constant 0 : index
    %swap3A_1402 = arith.constant 0 : index
    %swap3A_1403 = vector.load %arg10[%swap3A_1400, %swap3A_1401, %swap3A_1402] : memref<50x128x384xf32, #tpu.memory_space<vmem>>, vector<1x128x384xf32>
    %swap3A_1404 = vector.shape_cast %swap3A_1403 : vector<1x128x384xf32> to vector<128x384xf32>
    %swap3A_1405 = vector.shape_cast %max3A_1399 : vector<128x384xf32> to vector<1x128x384xf32>
    tpu.vector_store %arg10[%swap3A_1400, %swap3A_1401, %swap3A_1402], %swap3A_1405 {strides = array<i32>} : memref<50x128x384xf32, #tpu.memory_space<vmem>>, vector<1x128x384xf32>,
    %slice3A_1406 = vector.extract_strided_slice %reshape3A_1333 {offsets = [4, 0, 0], sizes = [1, 128, 384], strides = [1, 1, 1]} : vector<25x128x384xf32> to vector<1x128x384xf32>
    %squeeze3A_1407 = vector.shape_cast %slice3A_1406 : vector<1x128x384xf32> to vector<128x384xf32>
    %get3A_1408 = arith.constant 9 : index
    %get3A_1409 = arith.constant 0 : index
    %get3A_1410 = arith.constant 0 : index
    %get3A_1411 = vector.load %arg9[%get3A_1408, %get3A_1409, %get3A_1410] : memref<50x1x384xf32, #tpu.memory_space<vmem>>, vector<1x1x384xf32>
    %get3A_1412 = vector.shape_cast %get3A_1411 : vector<1x1x384xf32> to vector<1x384xf32>
    %add3A_1413 = vector.broadcast %get3A_1412 : vector<1x384xf32> to vector<128x384xf32>
    %add3A_1414 = arith.addf %squeeze3A_1407, %add3A_1413 : vector<128x384xf32>
    %max3A_1415 = arith.constant 0.000000e+00 : f32
    %max3A_1416 = vector.broadcast %max3A_1415 : f32 to vector<128x384xf32>
    %max3A_1417 = arith.maximumf %add3A_1414, %max3A_1416 : vector<128x384xf32>
    %swap3A_1418 = arith.constant 9 : index
    %swap3A_1419 = arith.constant 0 : index
    %swap3A_1420 = arith.constant 0 : index
    %swap3A_1421 = vector.load %arg10[%swap3A_1418, %swap3A_1419, %swap3A_1420] : memref<50x128x384xf32, #tpu.memory_space<vmem>>, vector<1x128x384xf32>
    %swap3A_1422 = vector.shape_cast %swap3A_1421 : vector<1x128x384xf32> to vector<128x384xf32>
    %swap3A_1423 = vector.shape_cast %max3A_1417 : vector<128x384xf32> to vector<1x128x384xf32>
    tpu.vector_store %arg10[%swap3A_1418, %swap3A_1419, %swap3A_1420], %swap3A_1423 {strides = array<i32>} : memref<50x128x384xf32, #tpu.memory_space<vmem>>, vector<1x128x384xf32>,
    %slice3A_1424 = vector.extract_strided_slice %reshape3A_1333 {offsets = [5, 0, 0], sizes = [1, 128, 384], strides = [1, 1, 1]} : vector<25x128x384xf32> to vector<1x128x384xf32>
    %squeeze3A_1425 = vector.shape_cast %slice3A_1424 : vector<1x128x384xf32> to vector<128x384xf32>
    %get3A_1426 = arith.constant 11 : index
    %get3A_1427 = arith.constant 0 : index
    %get3A_1428 = arith.constant 0 : index
    %get3A_1429 = vector.load %arg9[%get3A_1426, %get3A_1427, %get3A_1428] : memref<50x1x384xf32, #tpu.memory_space<vmem>>, vector<1x1x384xf32>
    %get3A_1430 = vector.shape_cast %get3A_1429 : vector<1x1x384xf32> to vector<1x384xf32>
    %add3A_1431 = vector.broadcast %get3A_1430 : vector<1x384xf32> to vector<128x384xf32>
    %add3A_1432 = arith.addf %squeeze3A_1425, %add3A_1431 : vector<128x384xf32>
    %max3A_1433 = arith.constant 0.000000e+00 : f32
    %max3A_1434 = vector.broadcast %max3A_1433 : f32 to vector<128x384xf32>
    %max3A_1435 = arith.maximumf %add3A_1432, %max3A_1434 : vector<128x384xf32>
    %swap3A_1436 = arith.constant 11 : index
    %swap3A_1437 = arith.constant 0 : index
    %swap3A_1438 = arith.constant 0 : index
    %swap3A_1439 = vector.load %arg10[%swap3A_1436, %swap3A_1437, %swap3A_1438] : memref<50x128x384xf32, #tpu.memory_space<vmem>>, vector<1x128x384xf32>
    %swap3A_1440 = vector.shape_cast %swap3A_1439 : vector<1x128x384xf32> to vector<128x384xf32>
    %swap3A_1441 = vector.shape_cast %max3A_1435 : vector<128x384xf32> to vector<1x128x384xf32>
    tpu.vector_store %arg10[%swap3A_1436, %swap3A_1437, %swap3A_1438], %swap3A_1441 {strides = array<i32>} : memref<50x128x384xf32, #tpu.memory_space<vmem>>, vector<1x128x384xf32>,
    %slice3A_1442 = vector.extract_strided_slice %reshape3A_1333 {offsets = [6, 0, 0], sizes = [1, 128, 384], strides = [1, 1, 1]} : vector<25x128x384xf32> to vector<1x128x384xf32>
    %squeeze3A_1443 = vector.shape_cast %slice3A_1442 : vector<1x128x384xf32> to vector<128x384xf32>
    %get3A_1444 = arith.constant 13 : index
    %get3A_1445 = arith.constant 0 : index
    %get3A_1446 = arith.constant 0 : index
    %get3A_1447 = vector.load %arg9[%get3A_1444, %get3A_1445, %get3A_1446] : memref<50x1x384xf32, #tpu.memory_space<vmem>>, vector<1x1x384xf32>
    %get3A_1448 = vector.shape_cast %get3A_1447 : vector<1x1x384xf32> to vector<1x384xf32>
    %add3A_1449 = vector.broadcast %get3A_1448 : vector<1x384xf32> to vector<128x384xf32>
    %add3A_1450 = arith.addf %squeeze3A_1443, %add3A_1449 : vector<128x384xf32>
    %max3A_1451 = arith.constant 0.000000e+00 : f32
    %max3A_1452 = vector.broadcast %max3A_1451 : f32 to vector<128x384xf32>
    %max3A_1453 = arith.maximumf %add3A_1450, %max3A_1452 : vector<128x384xf32>
    %swap3A_1454 = arith.constant 13 : index
    %swap3A_1455 = arith.constant 0 : index
    %swap3A_1456 = arith.constant 0 : index
    %swap3A_1457 = vector.load %arg10[%swap3A_1454, %swap3A_1455, %swap3A_1456] : memref<50x128x384xf32, #tpu.memory_space<vmem>>, vector<1x128x384xf32>
    %swap3A_1458 = vector.shape_cast %swap3A_1457 : vector<1x128x384xf32> to vector<128x384xf32>
    %swap3A_1459 = vector.shape_cast %max3A_1453 : vector<128x384xf32> to vector<1x128x384xf32>
    tpu.vector_store %arg10[%swap3A_1454, %swap3A_1455, %swap3A_1456], %swap3A_1459 {strides = array<i32>} : memref<50x128x384xf32, #tpu.memory_space<vmem>>, vector<1x128x384xf32>,
    %slice3A_1460 = vector.extract_strided_slice %reshape3A_1333 {offsets = [7, 0, 0], sizes = [1, 128, 384], strides = [1, 1, 1]} : vector<25x128x384xf32> to vector<1x128x384xf32>
    %squeeze3A_1461 = vector.shape_cast %slice3A_1460 : vector<1x128x384xf32> to vector<128x384xf32>
    %get3A_1462 = arith.constant 15 : index
    %get3A_1463 = arith.constant 0 : index
    %get3A_1464 = arith.constant 0 : index
    %get3A_1465 = vector.load %arg9[%get3A_1462, %get3A_1463, %get3A_1464] : memref<50x1x384xf32, #tpu.memory_space<vmem>>, vector<1x1x384xf32>
    %get3A_1466 = vector.shape_cast %get3A_1465 : vector<1x1x384xf32> to vector<1x384xf32>
    %add3A_1467 = vector.broadcast %get3A_1466 : vector<1x384xf32> to vector<128x384xf32>
    %add3A_1468 = arith.addf %squeeze3A_1461, %add3A_1467 : vector<128x384xf32>
    %max3A_1469 = arith.constant 0.000000e+00 : f32
    %max3A_1470 = vector.broadcast %max3A_1469 : f32 to vector<128x384xf32>
    %max3A_1471 = arith.maximumf %add3A_1468, %max3A_1470 : vector<128x384xf32>
    %swap3A_1472 = arith.constant 15 : index
    %swap3A_1473 = arith.constant 0 : index
    %swap3A_1474 = arith.constant 0 : index
    %swap3A_1475 = vector.load %arg10[%swap3A_1472, %swap3A_1473, %swap3A_1474] : memref<50x128x384xf32, #tpu.memory_space<vmem>>, vector<1x128x384xf32>
    %swap3A_1476 = vector.shape_cast %swap3A_1475 : vector<1x128x384xf32> to vector<128x384xf32>
    %swap3A_1477 = vector.shape_cast %max3A_1471 : vector<128x384xf32> to vector<1x128x384xf32>
    tpu.vector_store %arg10[%swap3A_1472, %swap3A_1473, %swap3A_1474], %swap3A_1477 {strides = array<i32>} : memref<50x128x384xf32, #tpu.memory_space<vmem>>, vector<1x128x384xf32>,
    %slice3A_1478 = vector.extract_strided_slice %reshape3A_1333 {offsets = [8, 0, 0], sizes = [1, 128, 384], strides = [1, 1, 1]} : vector<25x128x384xf32> to vector<1x128x384xf32>
    %squeeze3A_1479 = vector.shape_cast %slice3A_1478 : vector<1x128x384xf32> to vector<128x384xf32>
    %get3A_1480 = arith.constant 17 : index
    %get3A_1481 = arith.constant 0 : index
    %get3A_1482 = arith.constant 0 : index
    %get3A_1483 = vector.load %arg9[%get3A_1480, %get3A_1481, %get3A_1482] : memref<50x1x384xf32, #tpu.memory_space<vmem>>, vector<1x1x384xf32>
    %get3A_1484 = vector.shape_cast %get3A_1483 : vector<1x1x384xf32> to vector<1x384xf32>
    %add3A_1485 = vector.broadcast %get3A_1484 : vector<1x384xf32> to vector<128x384xf32>
    %add3A_1486 = arith.addf %squeeze3A_1479, %add3A_1485 : vector<128x384xf32>
    %max3A_1487 = arith.constant 0.000000e+00 : f32
    %max3A_1488 = vector.broadcast %max3A_1487 : f32 to vector<128x384xf32>
    %max3A_1489 = arith.maximumf %add3A_1486, %max3A_1488 : vector<128x384xf32>
    %swap3A_1490 = arith.constant 17 : index
    %swap3A_1491 = arith.constant 0 : index
    %swap3A_1492 = arith.constant 0 : index
    %swap3A_1493 = vector.load %arg10[%swap3A_1490, %swap3A_1491, %swap3A_1492] : memref<50x128x384xf32, #tpu.memory_space<vmem>>, vector<1x128x384xf32>
    %swap3A_1494 = vector.shape_cast %swap3A_1493 : vector<1x128x384xf32> to vector<128x384xf32>
    %swap3A_1495 = vector.shape_cast %max3A_1489 : vector<128x384xf32> to vector<1x128x384xf32>
    tpu.vector_store %arg10[%swap3A_1490, %swap3A_1491, %swap3A_1492], %swap3A_1495 {strides = array<i32>} : memref<50x128x384xf32, #tpu.memory_space<vmem>>, vector<1x128x384xf32>,
    %slice3A_1496 = vector.extract_strided_slice %reshape3A_1333 {offsets = [9, 0, 0], sizes = [1, 128, 384], strides = [1, 1, 1]} : vector<25x128x384xf32> to vector<1x128x384xf32>
    %squeeze3A_1497 = vector.shape_cast %slice3A_1496 : vector<1x128x384xf32> to vector<128x384xf32>
    %get3A_1498 = arith.constant 19 : index
    %get3A_1499 = arith.constant 0 : index
    %get3A_1500 = arith.constant 0 : index
    %get3A_1501 = vector.load %arg9[%get3A_1498, %get3A_1499, %get3A_1500] : memref<50x1x384xf32, #tpu.memory_space<vmem>>, vector<1x1x384xf32>
    %get3A_1502 = vector.shape_cast %get3A_1501 : vector<1x1x384xf32> to vector<1x384xf32>
    %add3A_1503 = vector.broadcast %get3A_1502 : vector<1x384xf32> to vector<128x384xf32>
    %add3A_1504 = arith.addf %squeeze3A_1497, %add3A_1503 : vector<128x384xf32>
    %max3A_1505 = arith.constant 0.000000e+00 : f32
    %max3A_1506 = vector.broadcast %max3A_1505 : f32 to vector<128x384xf32>
    %max3A_1507 = arith.maximumf %add3A_1504, %max3A_1506 : vector<128x384xf32>
    %swap3A_1508 = arith.constant 19 : index
    %swap3A_1509 = arith.constant 0 : index
    %swap3A_1510 = arith.constant 0 : index
    %swap3A_1511 = vector.load %arg10[%swap3A_1508, %swap3A_1509, %swap3A_1510] : memref<50x128x384xf32, #tpu.memory_space<vmem>>, vector<1x128x384xf32>
    %swap3A_1512 = vector.shape_cast %swap3A_1511 : vector<1x128x384xf32> to vector<128x384xf32>
    %swap3A_1513 = vector.shape_cast %max3A_1507 : vector<128x384xf32> to vector<1x128x384xf32>
    tpu.vector_store %arg10[%swap3A_1508, %swap3A_1509, %swap3A_1510], %swap3A_1513 {strides = array<i32>} : memref<50x128x384xf32, #tpu.memory_space<vmem>>, vector<1x128x384xf32>,
    %slice3A_1514 = vector.extract_strided_slice %reshape3A_1333 {offsets = [10, 0, 0], sizes = [1, 128, 384], strides = [1, 1, 1]} : vector<25x128x384xf32> to vector<1x128x384xf32>
    %squeeze3A_1515 = vector.shape_cast %slice3A_1514 : vector<1x128x384xf32> to vector<128x384xf32>
    %get3A_1516 = arith.constant 21 : index
    %get3A_1517 = arith.constant 0 : index
    %get3A_1518 = arith.constant 0 : index
    %get3A_1519 = vector.load %arg9[%get3A_1516, %get3A_1517, %get3A_1518] : memref<50x1x384xf32, #tpu.memory_space<vmem>>, vector<1x1x384xf32>
    %get3A_1520 = vector.shape_cast %get3A_1519 : vector<1x1x384xf32> to vector<1x384xf32>
    %add3A_1521 = vector.broadcast %get3A_1520 : vector<1x384xf32> to vector<128x384xf32>
    %add3A_1522 = arith.addf %squeeze3A_1515, %add3A_1521 : vector<128x384xf32>
    %max3A_1523 = arith.constant 0.000000e+00 : f32
    %max3A_1524 = vector.broadcast %max3A_1523 : f32 to vector<128x384xf32>
    %max3A_1525 = arith.maximumf %add3A_1522, %max3A_1524 : vector<128x384xf32>
    %swap3A_1526 = arith.constant 21 : index
    %swap3A_1527 = arith.constant 0 : index
    %swap3A_1528 = arith.constant 0 : index
    %swap3A_1529 = vector.load %arg10[%swap3A_1526, %swap3A_1527, %swap3A_1528] : memref<50x128x384xf32, #tpu.memory_space<vmem>>, vector<1x128x384xf32>
    %swap3A_1530 = vector.shape_cast %swap3A_1529 : vector<1x128x384xf32> to vector<128x384xf32>
    %swap3A_1531 = vector.shape_cast %max3A_1525 : vector<128x384xf32> to vector<1x128x384xf32>
    tpu.vector_store %arg10[%swap3A_1526, %swap3A_1527, %swap3A_1528], %swap3A_1531 {strides = array<i32>} : memref<50x128x384xf32, #tpu.memory_space<vmem>>, vector<1x128x384xf32>,
    %slice3A_1532 = vector.extract_strided_slice %reshape3A_1333 {offsets = [11, 0, 0], sizes = [1, 128, 384], strides = [1, 1, 1]} : vector<25x128x384xf32> to vector<1x128x384xf32>
    %squeeze3A_1533 = vector.shape_cast %slice3A_1532 : vector<1x128x384xf32> to vector<128x384xf32>
    %get3A_1534 = arith.constant 23 : index
    %get3A_1535 = arith.constant 0 : index
    %get3A_1536 = arith.constant 0 : index
    %get3A_1537 = vector.load %arg9[%get3A_1534, %get3A_1535, %get3A_1536] : memref<50x1x384xf32, #tpu.memory_space<vmem>>, vector<1x1x384xf32>
    %get3A_1538 = vector.shape_cast %get3A_1537 : vector<1x1x384xf32> to vector<1x384xf32>
    %add3A_1539 = vector.broadcast %get3A_1538 : vector<1x384xf32> to vector<128x384xf32>
    %add3A_1540 = arith.addf %squeeze3A_1533, %add3A_1539 : vector<128x384xf32>
    %max3A_1541 = arith.constant 0.000000e+00 : f32
    %max3A_1542 = vector.broadcast %max3A_1541 : f32 to vector<128x384xf32>
    %max3A_1543 = arith.maximumf %add3A_1540, %max3A_1542 : vector<128x384xf32>
    %swap3A_1544 = arith.constant 23 : index
    %swap3A_1545 = arith.constant 0 : index
    %swap3A_1546 = arith.constant 0 : index
    %swap3A_1547 = vector.load %arg10[%swap3A_1544, %swap3A_1545, %swap3A_1546] : memref<50x128x384xf32, #tpu.memory_space<vmem>>, vector<1x128x384xf32>
    %swap3A_1548 = vector.shape_cast %swap3A_1547 : vector<1x128x384xf32> to vector<128x384xf32>
    %swap3A_1549 = vector.shape_cast %max3A_1543 : vector<128x384xf32> to vector<1x128x384xf32>
    tpu.vector_store %arg10[%swap3A_1544, %swap3A_1545, %swap3A_1546], %swap3A_1549 {strides = array<i32>} : memref<50x128x384xf32, #tpu.memory_space<vmem>>, vector<1x128x384xf32>,
    %slice3A_1550 = vector.extract_strided_slice %reshape3A_1333 {offsets = [12, 0, 0], sizes = [1, 128, 384], strides = [1, 1, 1]} : vector<25x128x384xf32> to vector<1x128x384xf32>
    %squeeze3A_1551 = vector.shape_cast %slice3A_1550 : vector<1x128x384xf32> to vector<128x384xf32>
    %get3A_1552 = arith.constant 25 : index
    %get3A_1553 = arith.constant 0 : index
    %get3A_1554 = arith.constant 0 : index
    %get3A_1555 = vector.load %arg9[%get3A_1552, %get3A_1553, %get3A_1554] : memref<50x1x384xf32, #tpu.memory_space<vmem>>, vector<1x1x384xf32>
    %get3A_1556 = vector.shape_cast %get3A_1555 : vector<1x1x384xf32> to vector<1x384xf32>
    %add3A_1557 = vector.broadcast %get3A_1556 : vector<1x384xf32> to vector<128x384xf32>
    %add3A_1558 = arith.addf %squeeze3A_1551, %add3A_1557 : vector<128x384xf32>
    %max3A_1559 = arith.constant 0.000000e+00 : f32
    %max3A_1560 = vector.broadcast %max3A_1559 : f32 to vector<128x384xf32>
    %max3A_1561 = arith.maximumf %add3A_1558, %max3A_1560 : vector<128x384xf32>
    %swap3A_1562 = arith.constant 25 : index
    %swap3A_1563 = arith.constant 0 : index
    %swap3A_1564 = arith.constant 0 : index
    %swap3A_1565 = vector.load %arg10[%swap3A_1562, %swap3A_1563, %swap3A_1564] : memref<50x128x384xf32, #tpu.memory_space<vmem>>, vector<1x128x384xf32>
    %swap3A_1566 = vector.shape_cast %swap3A_1565 : vector<1x128x384xf32> to vector<128x384xf32>
    %swap3A_1567 = vector.shape_cast %max3A_1561 : vector<128x384xf32> to vector<1x128x384xf32>
    tpu.vector_store %arg10[%swap3A_1562, %swap3A_1563, %swap3A_1564], %swap3A_1567 {strides = array<i32>} : memref<50x128x384xf32, #tpu.memory_space<vmem>>, vector<1x128x384xf32>,
    %slice3A_1568 = vector.extract_strided_slice %reshape3A_1333 {offsets = [13, 0, 0], sizes = [1, 128, 384], strides = [1, 1, 1]} : vector<25x128x384xf32> to vector<1x128x384xf32>
    %squeeze3A_1569 = vector.shape_cast %slice3A_1568 : vector<1x128x384xf32> to vector<128x384xf32>
    %get3A_1570 = arith.constant 27 : index
    %get3A_1571 = arith.constant 0 : index
    %get3A_1572 = arith.constant 0 : index
    %get3A_1573 = vector.load %arg9[%get3A_1570, %get3A_1571, %get3A_1572] : memref<50x1x384xf32, #tpu.memory_space<vmem>>, vector<1x1x384xf32>
    %get3A_1574 = vector.shape_cast %get3A_1573 : vector<1x1x384xf32> to vector<1x384xf32>
    %add3A_1575 = vector.broadcast %get3A_1574 : vector<1x384xf32> to vector<128x384xf32>
    %add3A_1576 = arith.addf %squeeze3A_1569, %add3A_1575 : vector<128x384xf32>
    %max3A_1577 = arith.constant 0.000000e+00 : f32
    %max3A_1578 = vector.broadcast %max3A_1577 : f32 to vector<128x384xf32>
    %max3A_1579 = arith.maximumf %add3A_1576, %max3A_1578 : vector<128x384xf32>
    %swap3A_1580 = arith.constant 27 : index
    %swap3A_1581 = arith.constant 0 : index
    %swap3A_1582 = arith.constant 0 : index
    %swap3A_1583 = vector.load %arg10[%swap3A_1580, %swap3A_1581, %swap3A_1582] : memref<50x128x384xf32, #tpu.memory_space<vmem>>, vector<1x128x384xf32>
    %swap3A_1584 = vector.shape_cast %swap3A_1583 : vector<1x128x384xf32> to vector<128x384xf32>
    %swap3A_1585 = vector.shape_cast %max3A_1579 : vector<128x384xf32> to vector<1x128x384xf32>
    tpu.vector_store %arg10[%swap3A_1580, %swap3A_1581, %swap3A_1582], %swap3A_1585 {strides = array<i32>} : memref<50x128x384xf32, #tpu.memory_space<vmem>>, vector<1x128x384xf32>,
    %slice3A_1586 = vector.extract_strided_slice %reshape3A_1333 {offsets = [14, 0, 0], sizes = [1, 128, 384], strides = [1, 1, 1]} : vector<25x128x384xf32> to vector<1x128x384xf32>
    %squeeze3A_1587 = vector.shape_cast %slice3A_1586 : vector<1x128x384xf32> to vector<128x384xf32>
    %get3A_1588 = arith.constant 29 : index
    %get3A_1589 = arith.constant 0 : index
    %get3A_1590 = arith.constant 0 : index
    %get3A_1591 = vector.load %arg9[%get3A_1588, %get3A_1589, %get3A_1590] : memref<50x1x384xf32, #tpu.memory_space<vmem>>, vector<1x1x384xf32>
    %get3A_1592 = vector.shape_cast %get3A_1591 : vector<1x1x384xf32> to vector<1x384xf32>
    %add3A_1593 = vector.broadcast %get3A_1592 : vector<1x384xf32> to vector<128x384xf32>
    %add3A_1594 = arith.addf %squeeze3A_1587, %add3A_1593 : vector<128x384xf32>
    %max3A_1595 = arith.constant 0.000000e+00 : f32
    %max3A_1596 = vector.broadcast %max3A_1595 : f32 to vector<128x384xf32>
    %max3A_1597 = arith.maximumf %add3A_1594, %max3A_1596 : vector<128x384xf32>
    %swap3A_1598 = arith.constant 29 : index
    %swap3A_1599 = arith.constant 0 : index
    %swap3A_1600 = arith.constant 0 : index
    %swap3A_1601 = vector.load %arg10[%swap3A_1598, %swap3A_1599, %swap3A_1600] : memref<50x128x384xf32, #tpu.memory_space<vmem>>, vector<1x128x384xf32>
    %swap3A_1602 = vector.shape_cast %swap3A_1601 : vector<1x128x384xf32> to vector<128x384xf32>
    %swap3A_1603 = vector.shape_cast %max3A_1597 : vector<128x384xf32> to vector<1x128x384xf32>
    tpu.vector_store %arg10[%swap3A_1598, %swap3A_1599, %swap3A_1600], %swap3A_1603 {strides = array<i32>} : memref<50x128x384xf32, #tpu.memory_space<vmem>>, vector<1x128x384xf32>,
    %slice3A_1604 = vector.extract_strided_slice %reshape3A_1333 {offsets = [15, 0, 0], sizes = [1, 128, 384], strides = [1, 1, 1]} : vector<25x128x384xf32> to vector<1x128x384xf32>
    %squeeze3A_1605 = vector.shape_cast %slice3A_1604 : vector<1x128x384xf32> to vector<128x384xf32>
    %get3A_1606 = arith.constant 31 : index
    %get3A_1607 = arith.constant 0 : index
    %get3A_1608 = arith.constant 0 : index
    %get3A_1609 = vector.load %arg9[%get3A_1606, %get3A_1607, %get3A_1608] : memref<50x1x384xf32, #tpu.memory_space<vmem>>, vector<1x1x384xf32>
    %get3A_1610 = vector.shape_cast %get3A_1609 : vector<1x1x384xf32> to vector<1x384xf32>
    %add3A_1611 = vector.broadcast %get3A_1610 : vector<1x384xf32> to vector<128x384xf32>
    %add3A_1612 = arith.addf %squeeze3A_1605, %add3A_1611 : vector<128x384xf32>
    %max3A_1613 = arith.constant 0.000000e+00 : f32
    %max3A_1614 = vector.broadcast %max3A_1613 : f32 to vector<128x384xf32>
    %max3A_1615 = arith.maximumf %add3A_1612, %max3A_1614 : vector<128x384xf32>
    %swap3A_1616 = arith.constant 31 : index
    %swap3A_1617 = arith.constant 0 : index
    %swap3A_1618 = arith.constant 0 : index
    %swap3A_1619 = vector.load %arg10[%swap3A_1616, %swap3A_1617, %swap3A_1618] : memref<50x128x384xf32, #tpu.memory_space<vmem>>, vector<1x128x384xf32>
    %swap3A_1620 = vector.shape_cast %swap3A_1619 : vector<1x128x384xf32> to vector<128x384xf32>
    %swap3A_1621 = vector.shape_cast %max3A_1615 : vector<128x384xf32> to vector<1x128x384xf32>
    tpu.vector_store %arg10[%swap3A_1616, %swap3A_1617, %swap3A_1618], %swap3A_1621 {strides = array<i32>} : memref<50x128x384xf32, #tpu.memory_space<vmem>>, vector<1x128x384xf32>,
    %slice3A_1622 = vector.extract_strided_slice %reshape3A_1333 {offsets = [16, 0, 0], sizes = [1, 128, 384], strides = [1, 1, 1]} : vector<25x128x384xf32> to vector<1x128x384xf32>
    %squeeze3A_1623 = vector.shape_cast %slice3A_1622 : vector<1x128x384xf32> to vector<128x384xf32>
    %get3A_1624 = arith.constant 33 : index
    %get3A_1625 = arith.constant 0 : index
    %get3A_1626 = arith.constant 0 : index
    %get3A_1627 = vector.load %arg9[%get3A_1624, %get3A_1625, %get3A_1626] : memref<50x1x384xf32, #tpu.memory_space<vmem>>, vector<1x1x384xf32>
    %get3A_1628 = vector.shape_cast %get3A_1627 : vector<1x1x384xf32> to vector<1x384xf32>
    %add3A_1629 = vector.broadcast %get3A_1628 : vector<1x384xf32> to vector<128x384xf32>
    %add3A_1630 = arith.addf %squeeze3A_1623, %add3A_1629 : vector<128x384xf32>
    %max3A_1631 = arith.constant 0.000000e+00 : f32
    %max3A_1632 = vector.broadcast %max3A_1631 : f32 to vector<128x384xf32>
    %max3A_1633 = arith.maximumf %add3A_1630, %max3A_1632 : vector<128x384xf32>
    %swap3A_1634 = arith.constant 33 : index
    %swap3A_1635 = arith.constant 0 : index
    %swap3A_1636 = arith.constant 0 : index
    %swap3A_1637 = vector.load %arg10[%swap3A_1634, %swap3A_1635, %swap3A_1636] : memref<50x128x384xf32, #tpu.memory_space<vmem>>, vector<1x128x384xf32>
    %swap3A_1638 = vector.shape_cast %swap3A_1637 : vector<1x128x384xf32> to vector<128x384xf32>
    %swap3A_1639 = vector.shape_cast %max3A_1633 : vector<128x384xf32> to vector<1x128x384xf32>
    tpu.vector_store %arg10[%swap3A_1634, %swap3A_1635, %swap3A_1636], %swap3A_1639 {strides = array<i32>} : memref<50x128x384xf32, #tpu.memory_space<vmem>>, vector<1x128x384xf32>,
    %slice3A_1640 = vector.extract_strided_slice %reshape3A_1333 {offsets = [17, 0, 0], sizes = [1, 128, 384], strides = [1, 1, 1]} : vector<25x128x384xf32> to vector<1x128x384xf32>
    %squeeze3A_1641 = vector.shape_cast %slice3A_1640 : vector<1x128x384xf32> to vector<128x384xf32>
    %get3A_1642 = arith.constant 35 : index
    %get3A_1643 = arith.constant 0 : index
    %get3A_1644 = arith.constant 0 : index
    %get3A_1645 = vector.load %arg9[%get3A_1642, %get3A_1643, %get3A_1644] : memref<50x1x384xf32, #tpu.memory_space<vmem>>, vector<1x1x384xf32>
    %get3A_1646 = vector.shape_cast %get3A_1645 : vector<1x1x384xf32> to vector<1x384xf32>
    %add3A_1647 = vector.broadcast %get3A_1646 : vector<1x384xf32> to vector<128x384xf32>
    %add3A_1648 = arith.addf %squeeze3A_1641, %add3A_1647 : vector<128x384xf32>
    %max3A_1649 = arith.constant 0.000000e+00 : f32
    %max3A_1650 = vector.broadcast %max3A_1649 : f32 to vector<128x384xf32>
    %max3A_1651 = arith.maximumf %add3A_1648, %max3A_1650 : vector<128x384xf32>
    %swap3A_1652 = arith.constant 35 : index
    %swap3A_1653 = arith.constant 0 : index
    %swap3A_1654 = arith.constant 0 : index
    %swap3A_1655 = vector.load %arg10[%swap3A_1652, %swap3A_1653, %swap3A_1654] : memref<50x128x384xf32, #tpu.memory_space<vmem>>, vector<1x128x384xf32>
    %swap3A_1656 = vector.shape_cast %swap3A_1655 : vector<1x128x384xf32> to vector<128x384xf32>
    %swap3A_1657 = vector.shape_cast %max3A_1651 : vector<128x384xf32> to vector<1x128x384xf32>
    tpu.vector_store %arg10[%swap3A_1652, %swap3A_1653, %swap3A_1654], %swap3A_1657 {strides = array<i32>} : memref<50x128x384xf32, #tpu.memory_space<vmem>>, vector<1x128x384xf32>,
    %slice3A_1658 = vector.extract_strided_slice %reshape3A_1333 {offsets = [18, 0, 0], sizes = [1, 128, 384], strides = [1, 1, 1]} : vector<25x128x384xf32> to vector<1x128x384xf32>
    %squeeze3A_1659 = vector.shape_cast %slice3A_1658 : vector<1x128x384xf32> to vector<128x384xf32>
    %get3A_1660 = arith.constant 37 : index
    %get3A_1661 = arith.constant 0 : index
    %get3A_1662 = arith.constant 0 : index
    %get3A_1663 = vector.load %arg9[%get3A_1660, %get3A_1661, %get3A_1662] : memref<50x1x384xf32, #tpu.memory_space<vmem>>, vector<1x1x384xf32>
    %get3A_1664 = vector.shape_cast %get3A_1663 : vector<1x1x384xf32> to vector<1x384xf32>
    %add3A_1665 = vector.broadcast %get3A_1664 : vector<1x384xf32> to vector<128x384xf32>
    %add3A_1666 = arith.addf %squeeze3A_1659, %add3A_1665 : vector<128x384xf32>
    %max3A_1667 = arith.constant 0.000000e+00 : f32
    %max3A_1668 = vector.broadcast %max3A_1667 : f32 to vector<128x384xf32>
    %max3A_1669 = arith.maximumf %add3A_1666, %max3A_1668 : vector<128x384xf32>
    %swap3A_1670 = arith.constant 37 : index
    %swap3A_1671 = arith.constant 0 : index
    %swap3A_1672 = arith.constant 0 : index
    %swap3A_1673 = vector.load %arg10[%swap3A_1670, %swap3A_1671, %swap3A_1672] : memref<50x128x384xf32, #tpu.memory_space<vmem>>, vector<1x128x384xf32>
    %swap3A_1674 = vector.shape_cast %swap3A_1673 : vector<1x128x384xf32> to vector<128x384xf32>
    %swap3A_1675 = vector.shape_cast %max3A_1669 : vector<128x384xf32> to vector<1x128x384xf32>
    tpu.vector_store %arg10[%swap3A_1670, %swap3A_1671, %swap3A_1672], %swap3A_1675 {strides = array<i32>} : memref<50x128x384xf32, #tpu.memory_space<vmem>>, vector<1x128x384xf32>,
    %slice3A_1676 = vector.extract_strided_slice %reshape3A_1333 {offsets = [19, 0, 0], sizes = [1, 128, 384], strides = [1, 1, 1]} : vector<25x128x384xf32> to vector<1x128x384xf32>
    %squeeze3A_1677 = vector.shape_cast %slice3A_1676 : vector<1x128x384xf32> to vector<128x384xf32>
    %get3A_1678 = arith.constant 39 : index
    %get3A_1679 = arith.constant 0 : index
    %get3A_1680 = arith.constant 0 : index
    %get3A_1681 = vector.load %arg9[%get3A_1678, %get3A_1679, %get3A_1680] : memref<50x1x384xf32, #tpu.memory_space<vmem>>, vector<1x1x384xf32>
    %get3A_1682 = vector.shape_cast %get3A_1681 : vector<1x1x384xf32> to vector<1x384xf32>
    %add3A_1683 = vector.broadcast %get3A_1682 : vector<1x384xf32> to vector<128x384xf32>
    %add3A_1684 = arith.addf %squeeze3A_1677, %add3A_1683 : vector<128x384xf32>
    %max3A_1685 = arith.constant 0.000000e+00 : f32
    %max3A_1686 = vector.broadcast %max3A_1685 : f32 to vector<128x384xf32>
    %max3A_1687 = arith.maximumf %add3A_1684, %max3A_1686 : vector<128x384xf32>
    %swap3A_1688 = arith.constant 39 : index
    %swap3A_1689 = arith.constant 0 : index
    %swap3A_1690 = arith.constant 0 : index
    %swap3A_1691 = vector.load %arg10[%swap3A_1688, %swap3A_1689, %swap3A_1690] : memref<50x128x384xf32, #tpu.memory_space<vmem>>, vector<1x128x384xf32>
    %swap3A_1692 = vector.shape_cast %swap3A_1691 : vector<1x128x384xf32> to vector<128x384xf32>
    %swap3A_1693 = vector.shape_cast %max3A_1687 : vector<128x384xf32> to vector<1x128x384xf32>
    tpu.vector_store %arg10[%swap3A_1688, %swap3A_1689, %swap3A_1690], %swap3A_1693 {strides = array<i32>} : memref<50x128x384xf32, #tpu.memory_space<vmem>>, vector<1x128x384xf32>,
    %slice3A_1694 = vector.extract_strided_slice %reshape3A_1333 {offsets = [20, 0, 0], sizes = [1, 128, 384], strides = [1, 1, 1]} : vector<25x128x384xf32> to vector<1x128x384xf32>
    %squeeze3A_1695 = vector.shape_cast %slice3A_1694 : vector<1x128x384xf32> to vector<128x384xf32>
    %get3A_1696 = arith.constant 41 : index
    %get3A_1697 = arith.constant 0 : index
    %get3A_1698 = arith.constant 0 : index
    %get3A_1699 = vector.load %arg9[%get3A_1696, %get3A_1697, %get3A_1698] : memref<50x1x384xf32, #tpu.memory_space<vmem>>, vector<1x1x384xf32>
    %get3A_1700 = vector.shape_cast %get3A_1699 : vector<1x1x384xf32> to vector<1x384xf32>
    %add3A_1701 = vector.broadcast %get3A_1700 : vector<1x384xf32> to vector<128x384xf32>
    %add3A_1702 = arith.addf %squeeze3A_1695, %add3A_1701 : vector<128x384xf32>
    %max3A_1703 = arith.constant 0.000000e+00 : f32
    %max3A_1704 = vector.broadcast %max3A_1703 : f32 to vector<128x384xf32>
    %max3A_1705 = arith.maximumf %add3A_1702, %max3A_1704 : vector<128x384xf32>
    %swap3A_1706 = arith.constant 41 : index
    %swap3A_1707 = arith.constant 0 : index
    %swap3A_1708 = arith.constant 0 : index
    %swap3A_1709 = vector.load %arg10[%swap3A_1706, %swap3A_1707, %swap3A_1708] : memref<50x128x384xf32, #tpu.memory_space<vmem>>, vector<1x128x384xf32>
    %swap3A_1710 = vector.shape_cast %swap3A_1709 : vector<1x128x384xf32> to vector<128x384xf32>
    %swap3A_1711 = vector.shape_cast %max3A_1705 : vector<128x384xf32> to vector<1x128x384xf32>
    tpu.vector_store %arg10[%swap3A_1706, %swap3A_1707, %swap3A_1708], %swap3A_1711 {strides = array<i32>} : memref<50x128x384xf32, #tpu.memory_space<vmem>>, vector<1x128x384xf32>,
    %slice3A_1712 = vector.extract_strided_slice %reshape3A_1333 {offsets = [21, 0, 0], sizes = [1, 128, 384], strides = [1, 1, 1]} : vector<25x128x384xf32> to vector<1x128x384xf32>
    %squeeze3A_1713 = vector.shape_cast %slice3A_1712 : vector<1x128x384xf32> to vector<128x384xf32>
    %get3A_1714 = arith.constant 43 : index
    %get3A_1715 = arith.constant 0 : index
    %get3A_1716 = arith.constant 0 : index
    %get3A_1717 = vector.load %arg9[%get3A_1714, %get3A_1715, %get3A_1716] : memref<50x1x384xf32, #tpu.memory_space<vmem>>, vector<1x1x384xf32>
    %get3A_1718 = vector.shape_cast %get3A_1717 : vector<1x1x384xf32> to vector<1x384xf32>
    %add3A_1719 = vector.broadcast %get3A_1718 : vector<1x384xf32> to vector<128x384xf32>
    %add3A_1720 = arith.addf %squeeze3A_1713, %add3A_1719 : vector<128x384xf32>
    %max3A_1721 = arith.constant 0.000000e+00 : f32
    %max3A_1722 = vector.broadcast %max3A_1721 : f32 to vector<128x384xf32>
    %max3A_1723 = arith.maximumf %add3A_1720, %max3A_1722 : vector<128x384xf32>
    %swap3A_1724 = arith.constant 43 : index
    %swap3A_1725 = arith.constant 0 : index
    %swap3A_1726 = arith.constant 0 : index
    %swap3A_1727 = vector.load %arg10[%swap3A_1724, %swap3A_1725, %swap3A_1726] : memref<50x128x384xf32, #tpu.memory_space<vmem>>, vector<1x128x384xf32>
    %swap3A_1728 = vector.shape_cast %swap3A_1727 : vector<1x128x384xf32> to vector<128x384xf32>
    %swap3A_1729 = vector.shape_cast %max3A_1723 : vector<128x384xf32> to vector<1x128x384xf32>
    tpu.vector_store %arg10[%swap3A_1724, %swap3A_1725, %swap3A_1726], %swap3A_1729 {strides = array<i32>} : memref<50x128x384xf32, #tpu.memory_space<vmem>>, vector<1x128x384xf32>,
    %slice3A_1730 = vector.extract_strided_slice %reshape3A_1333 {offsets = [22, 0, 0], sizes = [1, 128, 384], strides = [1, 1, 1]} : vector<25x128x384xf32> to vector<1x128x384xf32>
    %squeeze3A_1731 = vector.shape_cast %slice3A_1730 : vector<1x128x384xf32> to vector<128x384xf32>
    %get3A_1732 = arith.constant 45 : index
    %get3A_1733 = arith.constant 0 : index
    %get3A_1734 = arith.constant 0 : index
    %get3A_1735 = vector.load %arg9[%get3A_1732, %get3A_1733, %get3A_1734] : memref<50x1x384xf32, #tpu.memory_space<vmem>>, vector<1x1x384xf32>
    %get3A_1736 = vector.shape_cast %get3A_1735 : vector<1x1x384xf32> to vector<1x384xf32>
    %add3A_1737 = vector.broadcast %get3A_1736 : vector<1x384xf32> to vector<128x384xf32>
    %add3A_1738 = arith.addf %squeeze3A_1731, %add3A_1737 : vector<128x384xf32>
    %max3A_1739 = arith.constant 0.000000e+00 : f32
    %max3A_1740 = vector.broadcast %max3A_1739 : f32 to vector<128x384xf32>
    %max3A_1741 = arith.maximumf %add3A_1738, %max3A_1740 : vector<128x384xf32>
    %swap3A_1742 = arith.constant 45 : index
    %swap3A_1743 = arith.constant 0 : index
    %swap3A_1744 = arith.constant 0 : index
    %swap3A_1745 = vector.load %arg10[%swap3A_1742, %swap3A_1743, %swap3A_1744] : memref<50x128x384xf32, #tpu.memory_space<vmem>>, vector<1x128x384xf32>
    %swap3A_1746 = vector.shape_cast %swap3A_1745 : vector<1x128x384xf32> to vector<128x384xf32>
    %swap3A_1747 = vector.shape_cast %max3A_1741 : vector<128x384xf32> to vector<1x128x384xf32>
    tpu.vector_store %arg10[%swap3A_1742, %swap3A_1743, %swap3A_1744], %swap3A_1747 {strides = array<i32>} : memref<50x128x384xf32, #tpu.memory_space<vmem>>, vector<1x128x384xf32>,
    %slice3A_1748 = vector.extract_strided_slice %reshape3A_1333 {offsets = [23, 0, 0], sizes = [1, 128, 384], strides = [1, 1, 1]} : vector<25x128x384xf32> to vector<1x128x384xf32>
    %squeeze3A_1749 = vector.shape_cast %slice3A_1748 : vector<1x128x384xf32> to vector<128x384xf32>
    %get3A_1750 = arith.constant 47 : index
    %get3A_1751 = arith.constant 0 : index
    %get3A_1752 = arith.constant 0 : index
    %get3A_1753 = vector.load %arg9[%get3A_1750, %get3A_1751, %get3A_1752] : memref<50x1x384xf32, #tpu.memory_space<vmem>>, vector<1x1x384xf32>
    %get3A_1754 = vector.shape_cast %get3A_1753 : vector<1x1x384xf32> to vector<1x384xf32>
    %add3A_1755 = vector.broadcast %get3A_1754 : vector<1x384xf32> to vector<128x384xf32>
    %add3A_1756 = arith.addf %squeeze3A_1749, %add3A_1755 : vector<128x384xf32>
    %max3A_1757 = arith.constant 0.000000e+00 : f32
    %max3A_1758 = vector.broadcast %max3A_1757 : f32 to vector<128x384xf32>
    %max3A_1759 = arith.maximumf %add3A_1756, %max3A_1758 : vector<128x384xf32>
    %swap3A_1760 = arith.constant 47 : index
    %swap3A_1761 = arith.constant 0 : index
    %swap3A_1762 = arith.constant 0 : index
    %swap3A_1763 = vector.load %arg10[%swap3A_1760, %swap3A_1761, %swap3A_1762] : memref<50x128x384xf32, #tpu.memory_space<vmem>>, vector<1x128x384xf32>
    %swap3A_1764 = vector.shape_cast %swap3A_1763 : vector<1x128x384xf32> to vector<128x384xf32>
    %swap3A_1765 = vector.shape_cast %max3A_1759 : vector<128x384xf32> to vector<1x128x384xf32>
    tpu.vector_store %arg10[%swap3A_1760, %swap3A_1761, %swap3A_1762], %swap3A_1765 {strides = array<i32>} : memref<50x128x384xf32, #tpu.memory_space<vmem>>, vector<1x128x384xf32>,
    %slice3A_1766 = vector.extract_strided_slice %reshape3A_1333 {offsets = [24, 0, 0], sizes = [1, 128, 384], strides = [1, 1, 1]} : vector<25x128x384xf32> to vector<1x128x384xf32>
    %squeeze3A_1767 = vector.shape_cast %slice3A_1766 : vector<1x128x384xf32> to vector<128x384xf32>
    %get3A_1768 = arith.constant 49 : index
    %get3A_1769 = arith.constant 0 : index
    %get3A_1770 = arith.constant 0 : index
    %get3A_1771 = vector.load %arg9[%get3A_1768, %get3A_1769, %get3A_1770] : memref<50x1x384xf32, #tpu.memory_space<vmem>>, vector<1x1x384xf32>
    %get3A_1772 = vector.shape_cast %get3A_1771 : vector<1x1x384xf32> to vector<1x384xf32>
    %add3A_1773 = vector.broadcast %get3A_1772 : vector<1x384xf32> to vector<128x384xf32>
    %add3A_1774 = arith.addf %squeeze3A_1767, %add3A_1773 : vector<128x384xf32>
    %max3A_1775 = arith.constant 0.000000e+00 : f32
    %max3A_1776 = vector.broadcast %max3A_1775 : f32 to vector<128x384xf32>
    %max3A_1777 = arith.maximumf %add3A_1774, %max3A_1776 : vector<128x384xf32>
    %swap3A_1778 = arith.constant 49 : index
    %swap3A_1779 = arith.constant 0 : index
    %swap3A_1780 = arith.constant 0 : index
    %swap3A_1781 = vector.load %arg10[%swap3A_1778, %swap3A_1779, %swap3A_1780] : memref<50x128x384xf32, #tpu.memory_space<vmem>>, vector<1x128x384xf32>
    %swap3A_1782 = vector.shape_cast %swap3A_1781 : vector<1x128x384xf32> to vector<128x384xf32>
    %swap3A_1783 = vector.shape_cast %max3A_1777 : vector<128x384xf32> to vector<1x128x384xf32>
    tpu.vector_store %arg10[%swap3A_1778, %swap3A_1779, %swap3A_1780], %swap3A_1783 {strides = array<i32>} : memref<50x128x384xf32, #tpu.memory_space<vmem>>, vector<1x128x384xf32>,
    return
  }
  func.func @transform_0(%arg0: i32) -> (i32, i32) {
    %c0_i32 = arith.constant 0 : i32
    %c0_i32_0 = arith.constant 0 : i32
    return %arg0, %c0_i32 : i32, i32
  }
  func.func @transform_1(%arg0: i32) -> (i32, i32) {
    %c0_i32 = arith.constant 0 : i32
    %c0_i32_0 = arith.constant 0 : i32
    %c0_i32_1 = arith.constant 0 : i32
    return %c0_i32, %c0_i32_0 : i32, i32
  }
  func.func @transform_2(%arg0: i32) -> (i32, i32) {
    %c0_i32 = arith.constant 0 : i32
    %c0_i32_0 = arith.constant 0 : i32
    %c0_i32_1 = arith.constant 0 : i32
    return %c0_i32, %c0_i32_0 : i32, i32
  }
  func.func @transform_3(%arg0: i32) -> (i32, i32, i32) {
    %c0_i32 = arith.constant 0 : i32
    %c0_i32_0 = arith.constant 0 : i32
    %c0_i32_1 = arith.constant 0 : i32
    %c0_i32_2 = arith.constant 0 : i32
    return %c0_i32, %c0_i32_0, %c0_i32_1 : i32, i32, i32
  }
  func.func @transform_4(%arg0: i32) -> (i32, i32, i32) {
    %c0_i32 = arith.constant 0 : i32
    %c0_i32_0 = arith.constant 0 : i32
    %c0_i32_1 = arith.constant 0 : i32
    %c0_i32_2 = arith.constant 0 : i32
    return %c0_i32, %c0_i32_0, %c0_i32_1 : i32, i32, i32
  }
  func.func @transform_5(%arg0: i32) -> (i32, i32, i32, i32) {
    %c0_i32 = arith.constant 0 : i32
    %c0_i32_0 = arith.constant 0 : i32
    %c0_i32_1 = arith.constant 0 : i32
    %c0_i32_2 = arith.constant 0 : i32
    %c0_i32_3 = arith.constant 0 : i32
    return %c0_i32, %c0_i32_0, %c0_i32_1, %c0_i32_2 : i32, i32, i32, i32
  }
  func.func @transform_6(%arg0: i32) -> (i32, i32, i32) {
    %c0_i32 = arith.constant 0 : i32
    %c0_i32_0 = arith.constant 0 : i32
    %c0_i32_1 = arith.constant 0 : i32
    %c0_i32_2 = arith.constant 0 : i32
    return %c0_i32, %c0_i32_0, %c0_i32_1 : i32, i32, i32
  }
  func.func @transform_7(%arg0: i32) -> (i32, i32, i32, i32) {
    %c0_i32 = arith.constant 0 : i32
    %c0_i32_0 = arith.constant 0 : i32
    %c0_i32_1 = arith.constant 0 : i32
    %c0_i32_2 = arith.constant 0 : i32
    %c0_i32_3 = arith.constant 0 : i32
    return %c0_i32, %c0_i32_0, %c0_i32_1, %c0_i32_2 : i32, i32, i32, i32
  }
  func.func @transform_8(%arg0: i32) -> (i32, i32, i32) {
    %c0_i32 = arith.constant 0 : i32
    %c0_i32_0 = arith.constant 0 : i32
    %c0_i32_1 = arith.constant 0 : i32
    %c0_i32_2 = arith.constant 0 : i32
    return %c0_i32, %c0_i32_0, %c0_i32_1 : i32, i32, i32
  }
  func.func @transform_9(%arg0: i32) -> (i32, i32, i32) {
    %c0_i32 = arith.constant 0 : i32
    %c0_i32_0 = arith.constant 0 : i32
    %c0_i32_1 = arith.constant 0 : i32
    return %c0_i32, %arg0, %c0_i32_0 : i32, i32, i32
  }
}

</mosaic_0001>

<sc_bundles>
// kernel: sparse-core-data-format-call.cloned.1.call-start
scs
called_computation_lowered:
.L_overlay_start_0:
0x0: {  	s2 =	sld [smem:$0x3FD9]  }
0x1: {  	s3 =	sld [smem:$0x3FFE];
	_ =	sdelay $0x1  }
0x2: {  	s1 =	srdreg.scid  }
0x3: {  	s0 =	sand.u32 $0x1, s1  }
0x4: {  	s18 =	sshll.u32 s0, $0xA;
	s2 =	sadd.s32 s3, s2  }
0x5: {  	s2 =	sadd.s32 s2, s18  }
0x6: {  	[smem:$0x3FB9] =	sst s2  }
0x7: {  	_ = 	snop  }
0x8: {  	s2 =	sld [smem:$0x3FD0];
	(tm) =	ssettm $0x1  }
0x9: {  	s19 =	sld [smem:$0x3FFB];
	_ =	sdelay $0x3  }
0xa: {  	_ =	strace s19  }
0xb: {  	s3 =	sld [smem:$0x3FFC];
	_ =	sdelay $0x3  }
0xc: {  	_ =	strace s3  }
0xd: {  	s3 =	sld [smem:$0x3FFD];
	_ =	sdelay $0x3  }
0xe: {  	_ =	strace s3  }
0xf: {  	_ =	strace $0x8FFFFFFF  }
0x10: {  	s20 =	sld [smem:$0x3FDB];
	_ =	sdelay $0x1  }
0x11: {  	s4 =	simm.s32 $_scs_section_size  }
0x12: {  	s5 =	simm.s32 $_size__tile_overlayer_lowered;
	s6 =	simm.s32 $_tile_overlayer_lowered  }
0x13: {  	s23 =	simm.s32 $0x1BFF;
	s22 =	sshll.u32 s6, $0x1;
	s3 =	sadd.s32 s4, s20  }
0x14: {  	s7 =	simm.s32 $0x0;
	s21 =	sshll.u32 s5, $0x1;
	s5 =	sadd.s32 s22, s3  }
0x15: {  	[timem:s7], [sflag:s23] =	dma.local [hbm:s5], s21  }
0x16: {  	_ =	swait.ge [sflag:s23], s21  }
0x17: {  	s4 =	ssub.s32 $0x0, s21;
	[sflag:s23] =	ssyncset.done $0x0  }
0x18: {  	[sflag:s23] =	ssyncadd.s32 s4;
	_ =	sdelay $0x1  }
0x19: {  	s24 =	simm.s32 $0x1B8B  }
0x1a: {  	_ =	swait.ge [sflag:s24], $0x1  }
0x1b: {  	[sflag:s24] =	ssyncset.done $0x0  }
0x1c: {  	s26 =	simm.s32 $0x1B8E;
	s25 =	sld [smem:$0x3FFE];
	[sflag:s24] =	ssyncadd.s32 $0xFFFFFFFF  }
0x1d: {  	s27 =	simm.s32 $execute0_lowered;
	[smem:$0x3FD2] =	sst s26  }
0x1e: {  	s5 =	sshll.u32 s27, $0x1;
	_ =	strace $0x80000046;
	[dreg:$0x1] =	wrdreg $0xFFFFFFFF  }
0x1f: {  	s28 =	simm.s32 $_size_execute0_lowered;
	s3 =	sadd.s32 s3, s5;
	[dreg:$0x0] =	wrdreg $0x0  }
0x20: {  	s5 =	sshll.u32 s28, $0x1;
	[dreg:$0x2] =	wrdreg s3  }
0x21: {  	[dreg:$0x3] =	wrdreg s5  }
0x22: {  	[dreg:$0x4] =	wrdreg $0xC0  }
0x23: {  	_ =	task [dreg:s7], $0x5FFFF  }
0x24: {  	[dreg:$0x1] =	wrdreg $0xFFFFFFFF  }
0x25: {  	[dreg:$0x0] =	wrdreg $0x60  }
0x26: {  	[dreg:$0x2] =	wrdreg s25  }
0x27: {  	[dreg:$0x3] =	wrdreg s2  }
0x28: {  	[dreg:$0x4] =	wrdreg $0x9  }
0x29: {  	_ =	task.clear_ibuf [dreg:s7], $0x5FFFF;
	_ =	strace $0x90000046  }
0x2a: {  	s29 =	simm.s32 $0x9;
	_ =	strace $0x80000048  }
0x2b: {  	_ =	swait.ge [sflag:s29], $0x1  }
0x2c: {  	[sflag:s29] =	ssyncadd.s32 $0xFFFFFFFF  }
0x2d: {  	_ =	strace $0x90000048  }
0x2e: {  	_ =	sfence  }
0x2f: {  	s30 =	sld [smem:$0x0];
	_ =	sdelay $0x2  }
0x30: {  	s31 =	sshll.u32 s1, $0xD;
	s1 =	sshrl.u32 s1, $0x2  }
0x31: {  	s3 =	sand.u32 $0x4000, s31;
	s1 =	sadd.s32 s1, s30  }
0x32: {  	s0 =	sor.u32 s3, s0;
	s1 =	sshll.u32 s1, $0x11  }
0x33: {  	s0 =	sor.u32 s1, s0  }
0x34: {  	s0 =	sadd.s32 $0x8F2B, s0  }
0x35: {  	[sflag:s0] =	ssyncadd.remote.s32 $0x1  }
0x36: {  	_ =	sfence.sel $0xFFFF  }
0x37: {  	[dreg:$0x0] =	wrdreg $0xFFFFFFFF;
	(pc) =	sbr.abs _section_cstart, $3  }
0x38: {  	[dreg:$0x1] =	wrdreg $0xFFFFFFFF  }
0x39: {  	_ =	task.clear_ibuf [dreg:s7], $0x2FFFF;
	_ =	strace $0x9FFFFFFF  }
0x3a: {  	(tm) =	ssettm $0x7FFFFFFF  }
0x3b: {  	_ =	shalt  }
tec
execute0_lowered:
.L_overlay_start_1:
0x0: {  	(tag) =	ssettag $0x1  }
0x1: {  	s0 =	stileid.u32;
	s1 =	srdreg.scid  }
0x2: {  	s2 =	sshll.u32 s0, $0x1;
	s1 =	sshll.u32 s1, $0x5  }
0x3: {  	s1 =	sor.u32 s2, s1  }
0x4: {  	s9 =	sand.u32 $0x30, s1  }
0x5: {  	s29 =	ssub.s32 $0x40, s9  }
0x6: {  	s7 =	rddreg [dreg:$0x0];
	s5 =	simm.s32 $0x1;
	s4 =	sand.u32 $0x30, s29  }
0x7: {  	_ =	strace $0x80000047;
	s19 =	sand.u32 $0x7, s0;
	p0 =	sne.s32 s4, $0x0  }
0x8: {  	s6 =	ssub.s32 $0x39, s19;
	s2 =	sshrl.u32 s29, $0x6;
	s5 =	simm.s32 @!p0 $0x0  }
0x9: {  	s30 =	simm.s32 $0x1;
	s6 =	sshrl.u32 s6, $0x3;
	s5 =	sadd.s32 s5, s2  }
0xa: {  	s31 =	simm.s32 $0x2;
	s13 =	simm.s32 $0x0;
	s6 =	smul.u32 s5, s6  }
.Ltmp0:
0xb: {  	s14 =	simm.s32 $0x0;
	s8 =	sshll.u32 s9, $0x7;
	(pc) =	sbr.rel .LBB1_1-.Ltmp0, $4  }
0xc: {  	s15 =	simm.s32 $0x0;
	s7 =	sadd.s32 s8, s7;
	s6 =	smul.u32 $0x6, s6  }
0xd: {  	s10 =	simm.s32 $0x0;
	s12 =	simm.s32 $0x0;
	s4 =	sadd.s32 $0xC00, s7  }
0xe: {  	[sflag:s30] =	ssyncpa.u1 $0x0;
	[dreg:$0x3] =	wrdreg s4;
	s5 =	sor.u32 $0x1, s6  }
0xf: {  	[sflag:s31] =	ssyncpa.u1 $0x0;
	s11 =	smov.u32 s19;
	[dreg:$0x4] =	wrdreg s5  }
.LBB1_7:
0x10: {  	s0 =	sadd.s32 $0x1, s10  }
0x11: {  	s2 =	sadd.s32 $0x8, s11;
	s3 =	smov.u32 s11;
	p1 =	sgt.s32 s0, $0x5  }
0x12: {  	s3 =	smov.u32 @p1 s2  }
0x13: {  	s0 =	simm.s32 @p1 $0x0;
	p1 =	sgt.s32 s3, $0x31  }
0x14: {  	s3 =	smov.u32 @p1 s19;
	p1 =	sne.s32 s12, s5  }
.Ltmp1:
0x15: {  	p0 =	slt.u32 s12, $0x2;
	(pc) =	sbr.rel @!p1 .LBB1_8-.Ltmp1, $4  }
0x16: {  	s1 =	simm.s32 @!p0 $0x2  }
0x17: {  	s14 =	smov.u32 s10;
	s15 =	smov.u32 s11;
	_ =	swait.ge @!p0 [sflag:s1], $0x4000  }
0x18: {  	s13 =	smov.u32 s9;
	[sflag:s1] =	ssyncset.done @!p0 $0x0;
	s10 =	smov.u32 s0  }
0x19: {  	s12 =	sadd.s32 $0x1, s12;
	[sflag:s1] =	ssyncadd.s32 @!p0 $0xFFFFC000;
	s11 =	smov.u32 s3  }
.LBB1_1:
0x1a: {  	p0 =	sge.u32 s12, s6  }
0x1b: {  	s16 =	smul.u32 @!p0 $0xC000, s11  }
0x1c: {  	s31 =	sadd.s32 $0xFFFFFFFF, s12;
	s17 =	sxor.u32 @!p0 $0xFFFFFFFF, s12  }
0x1d: {  	s18 =	sshll.u32 @!p0 s10, $0xD;
	s17 =	sshll.u32 @!p0 s17, $0xE;
	s16 =	sadd.s32 @!p0 s16, s4  }
0x1e: {  	s17 =	sand.u32 @!p0 $0x4000, s17;
	s16 =	sadd.s32 @!p0 s18, s16;
	s18 =	simm.s32 @!p0 $0x0  }
0x1f: {  	[tilespmem:s17], [sflag:$0x1] =	stream.linear.gather @!p0 [hbm4b:s16+s18], $0x4000, $0x38;
	[tilespmem:$0x10000] =	vst v63  }
0x20: {  	p0 =	sge.u32 s31, s6  }
.Ltmp2:
0x21: {  	_ = 	snop;
	(pc) =	sbr.rel @p0 .LBB1_7-.Ltmp2, $1  }
0x22: {  	_ =	sdelay $0x3  }
0x23: {  	s16 =	sshll.u32 s12, $0xE  }
0x24: {  	s18 =	sand.u32 $0x4000, s16  }
0x25: {  	s0 =	simm.s32 $0x1;
	v0 =	vmov s18  }
0x26: {  	_ =	swait.ge [sflag:s0], $0x4000  }
0x27: {  	s8 =	smov.u32 s19;
	[sflag:s0] =	ssyncset.done $0x0;
	s16 =	sor.u32 $0x8000, s18  }
0x28: {  	s7 =	smov.u32 s9;
	s17 =	simm.s32 $0x0;
	[sflag:s0] =	ssyncadd.s32 $0xFFFFC000;
	v1 =	vmov s16  }
.LBB1_3:
0x29: {  	s18 =	sshll.u32 s17, $0xA;
	s27 =	sshll.u32 s17, $0x7  }
0x2a: {  	s28 =	sand.u32 $0x2000, s18;
	s31 =	sand.u32 $0x380, s27  }
0x2b: {  	p0 =	por $0x1, $0x1;
	s18 =	sor.u32 s31, s28  }
0x2c: {  	s30 =	simm.s32 $0x0;
	s27 =	sor.u32 s27, s28;
	s19 =	sor.u32 $0x10, s18  }
0x2d: {  	s20 =	sor.u32 $0x20, s18;
	s21 =	sor.u32 $0x30, s18;
	s22 =	sor.u32 $0x40, s18  }
0x2e: {  	s23 =	sor.u32 $0x50, s18;
	s24 =	sor.u32 $0x60, s18;
	s25 =	sor.u32 $0x70, s18  }
0x2f: {  	s26 =	sor.u32 $0x400, s18;
	s28 =	sor.u32 $0x800, s18;
	s29 =	sor.u32 $0xC00, s18  }
.LBB1_4:
0x30: {  	s31 =	sor.u32 s19, s30  }
0x31: {  	s2 =	sor.u32 s20, s30;
	v2 =	vld.idx.msk [tilespmem:v0+s31+$0x0 ss:$0x1], $0xffff  }
0x32: {  	s0 =	sor.u32 s21, s30;
	v3 =	vld.idx.msk [tilespmem:v0+s2+$0x0 ss:$0x1], $0xffff  }
0x33: {  	s4 =	sor.u32 s22, s30;
	v4 =	vld.idx.msk [tilespmem:v0+s0+$0x0 ss:$0x1], $0xffff  }
0x34: {  	s9 =	sor.u32 s23, s30;
	v5 =	vld.idx.msk [tilespmem:v0+s4+$0x0 ss:$0x1], $0xffff  }
0x35: {  	s5 =	sor.u32 s24, s30;
	v6 =	vld.idx.msk [tilespmem:v0+s9+$0x0 ss:$0x1], $0xffff  }
0x36: {  	s1 =	sor.u32 s25, s30;
	[tilespmem:v1+s31+$0x0 ss:$0x1] =	vst.idx.msk $0xffff, v2;
	v2 =	vld.idx.msk [tilespmem:v0+s5+$0x0 ss:$0x1], $0xffff  }
0x37: {  	[tilespmem:v1+s2+$0x0 ss:$0x1] =	vst.idx.msk $0xffff, v3;
	v3 =	vld.idx.msk [tilespmem:v0+s1+$0x0 ss:$0x1], $0xffff;
	s2 =	sor.u32 s26, s30;
	s31 =	sor.u32 s27, s30  }
0x38: {  	[tilespmem:v1+s0+$0x0 ss:$0x1] =	vst.idx.msk $0xffff, v4;
	v49 =	vld.idx.msk [tilespmem:v0+s2+$0x0 ss:$0x1], $0xffff;
	s3 =	sor.u32 $0x410, s31  }
0x39: {  	[tilespmem:v1+s4+$0x0 ss:$0x1] =	vst.idx.msk $0xffff, v5;
	s4 =	sor.u32 $0x420, s31;
	v50 =	vld.idx.msk [tilespmem:v0+s3+$0x0 ss:$0x1], $0xffff  }
0x3a: {  	[tilespmem:v1+s9+$0x0 ss:$0x1] =	vst.idx.msk $0xffff, v6;
	s9 =	sor.u32 $0x430, s31;
	v51 =	vld.idx.msk [tilespmem:v0+s4+$0x0 ss:$0x1], $0xffff  }
0x3b: {  	[tilespmem:v1+s5+$0x0 ss:$0x1] =	vst.idx.msk $0xffff, v2;
	v2 =	vld.idx.msk [tilespmem:v0+s9+$0x0 ss:$0x1], $0xffff;
	s5 =	sor.u32 $0x440, s31  }
0x3c: {  	s0 =	sor.u32 $0x470, s31;
	[tilespmem:v1+s1+$0x0 ss:$0x1] =	vst.idx.msk $0xffff, v3;
	v3 =	vld.idx.msk [tilespmem:v0+s5+$0x0 ss:$0x1], $0xffff  }
0x3d: {  	v54 =	vld.idx.msk [tilespmem:v0+s0+$0x0 ss:$0x1], $0xffff;
	[tilespmem:v1+s2+$0x0 ss:$0x1] =	vst.idx.msk $0xffff, v49;
	s2 =	sor.u32 $0x460, s31  }
0x3e: {  	s1 =	sor.u32 $0x450, s31;
	[tilespmem:v1+s3+$0x0 ss:$0x1] =	vst.idx.msk $0xffff, v50;
	v53 =	vld.idx.msk [tilespmem:v0+s2+$0x0 ss:$0x1], $0xffff  }
0x3f: {  	v52 =	vld.idx.msk [tilespmem:v0+s1+$0x0 ss:$0x1], $0xffff;
	s3 =	sor.u32 s18, s30;
	[tilespmem:v1+s4+$0x0 ss:$0x1] =	vst.idx.msk $0xffff, v51;
	s4 =	sor.u32 s28, s30  }
0x40: {  	[tilespmem:v1+s9+$0x0 ss:$0x1] =	vst.idx.msk $0xffff, v2;
	v2 =	vld.idx.msk [tilespmem:v0+s4+$0x0 ss:$0x1], $0xffff;
	s9 =	sor.u32 $0x810, s3  }
0x41: {  	[tilespmem:v1+s5+$0x0 ss:$0x1] =	vst.idx.msk $0xffff, v3;
	v3 =	vld.idx.msk [tilespmem:v0+s9+$0x0 ss:$0x1], $0xffff  }
0x42: {  	[tilespmem:v1+s0+$0x0 ss:$0x1] =	vst.idx.msk $0xffff, v54;
	v55 =	vld.idx.msk [tilespmem:v0+s3+$0x0 ss:$0x1], $0xffff;
	s5 =	sor.u32 $0x860, s3  }
0x43: {  	[tilespmem:v1+s2+$0x0 ss:$0x1] =	vst.idx.msk $0xffff, v53;
	s2 =	sor.u32 $0x830, s3;
	v58 =	vld.idx.msk [tilespmem:v0+s5+$0x0 ss:$0x1], $0xffff  }
0x44: {  	s0 =	sor.u32 $0x840, s3;
	[tilespmem:v1+s1+$0x0 ss:$0x1] =	vst.idx.msk $0xffff, v52;
	v57 =	vld.idx.msk [tilespmem:v0+s2+$0x0 ss:$0x1], $0xffff  }
0x45: {  	[tilespmem:v1+s4+$0x0 ss:$0x1] =	vst.idx.msk $0xffff, v2;
	v2 =	vld.idx.msk [tilespmem:v0+s0+$0x0 ss:$0x1], $0xffff;
	s4 =	sor.u32 $0x850, s3  }
0x46: {  	s1 =	sor.u32 $0x820, s3;
	[tilespmem:v1+s9+$0x0 ss:$0x1] =	vst.idx.msk $0xffff, v3;
	v3 =	vld.idx.msk [tilespmem:v0+s4+$0x0 ss:$0x1], $0xffff  }
0x47: {  	v56 =	vld.idx.msk [tilespmem:v0+s1+$0x0 ss:$0x1], $0xffff;
	[tilespmem:v1+s3+$0x0 ss:$0x1] =	vst.idx.msk $0xffff, v55;
	s3 =	sor.u32 $0x870, s3  }
0x48: {  	v59 =	vld.idx.msk [tilespmem:v0+s3+$0x0 ss:$0x1], $0xffff;
	s9 =	sor.u32 s29, s30;
	[tilespmem:v1+s5+$0x0 ss:$0x1] =	vst.idx.msk $0xffff, v58  }
0x49: {  	v60 =	vld.idx.msk [tilespmem:v0+s9+$0x0 ss:$0x1], $0xffff;
	[tilespmem:v1+s2+$0x0 ss:$0x1] =	vst.idx.msk $0xffff, v57;
	s2 =	sor.u32 $0xC10, s31  }
0x4a: {  	[tilespmem:v1+s0+$0x0 ss:$0x1] =	vst.idx.msk $0xffff, v2;
	v2 =	vld.idx.msk [tilespmem:v0+s2+$0x0 ss:$0x1], $0xffff;
	s0 =	sor.u32 $0xC20, s31  }
0x4b: {  	s5 =	sor.u32 $0xC40, s31;
	[tilespmem:v1+s4+$0x0 ss:$0x1] =	vst.idx.msk $0xffff, v3;
	v3 =	vld.idx.msk [tilespmem:v0+s0+$0x0 ss:$0x1], $0xffff  }
0x4c: {  	[tilespmem:v1+s1+$0x0 ss:$0x1] =	vst.idx.msk $0xffff, v56;
	v62 =	vld.idx.msk [tilespmem:v0+s5+$0x0 ss:$0x1], $0xffff;
	s4 =	sor.u32 $0xC30, s31  }
0x4d: {  	[tilespmem:v1+s3+$0x0 ss:$0x1] =	vst.idx.msk $0xffff, v59;
	s3 =	sor.u32 $0xC50, s31;
	v61 =	vld.idx.msk [tilespmem:v0+s4+$0x0 ss:$0x1], $0xffff  }
0x4e: {  	[tilespmem:v1+s9+$0x0 ss:$0x1] =	vst.idx.msk $0xffff, v60;
	v63 =	vld.idx.msk [tilespmem:v0+s3+$0x0 ss:$0x1], $0xffff;
	s9 =	sor.u32 $0xC60, s31  }
0x4f: {  	s31 =	sor.u32 $0xC70, s31;
	[tilespmem:v1+s2+$0x0 ss:$0x1] =	vst.idx.msk $0xffff, v2;
	v2 =	vld.idx.msk [tilespmem:v0+s9+$0x0 ss:$0x1], $0xffff  }
0x50: {  	p1 =	por p0, p0;
	[tilespmem:v1+s0+$0x0 ss:$0x1] =	vst.idx.msk $0xffff, v3;
	v3 =	vld.idx.msk [tilespmem:v0+s31+$0x0 ss:$0x1], $0xffff  }
.Ltmp3:
0x51: {  	[tilespmem:v1+s5+$0x0 ss:$0x1] =	vst.idx.msk $0xffff, v62;
	(pc) =	sbr.rel @p1 .LBB1_4-.Ltmp3, $4  }
0x52: {  	[tilespmem:v1+s4+$0x0 ss:$0x1] =	vst.idx.msk $0xffff, v61  }
0x53: {  	[tilespmem:v1+s3+$0x0 ss:$0x1] =	vst.idx.msk $0xffff, v63  }
0x54: {  	[tilespmem:v1+s9+$0x0 ss:$0x1] =	vst.idx.msk $0xffff, v2  }
0x55: {  	p0 =	por $0x0, $0x0;
	s30 =	simm.s32 $0x1000;
	[tilespmem:v1+s31+$0x0 ss:$0x1] =	vst.idx.msk $0xffff, v3  }
0x56: {  	s17 =	sadd.s32 $0x1, s17  }
0x57: {  	p0 =	sne.s32 s17, $0x10  }
.Ltmp4:
0x58: {  	_ = 	snop;
	(pc) =	sbr.rel @p0 .LBB1_3-.Ltmp4, $1  }
0x59: {  	_ =	sdelay $0x3  }
0x5a: {  	s0 =	smul.u32 $0x64000, s14  }
.Ltmp5:
0x5b: {  	s1 =	sshll.u32 s15, $0xD;
	s2 =	rddreg [dreg:$0x1];
	(pc) =	sbr.rel .LBB1_7-.Ltmp5, $4  }
0x5c: {  	s30 =	sshll.u32 s13, $0x7;
	s31 =	simm.s32 $0x0;
	s1 =	sadd.s32 s2, s1  }
0x5d: {  	s9 =	smov.u32 s7;
	s4 =	rddreg [dreg:$0x3];
	s0 =	sadd.s32 s0, s1  }
0x5e: {  	s19 =	smov.u32 s8;
	s5 =	rddreg [dreg:$0x4];
	s0 =	sadd.s32 s30, s0  }
0x5f: {  	[hbm4b:s0+s31] =	stream.linear.scatter [tilespmem:s16], [sflag:$0x2], $0x4000, $0x38;
	[tilespmem:$0x10000] =	vst v63  }
.LBB1_8:
0x60: {  	_ =	sfence.sel $0x180000  }
0x61: {  	s0 =	simm.s32 $0x1;
	[bflag:$0x0] =	sbarrier.arrive $0xFFFF  }
0x62: {  	s30 =	simm.s32 $0x2;
	[sflag:s0] =	ssyncpa.u1 $0x1  }
0x63: {  	[sflag:s30] =	ssyncpa.u1 $0x1  }
0x64: {  	_ =	strace $0x90000047  }
0x65: {  	s31 =	stileid.u32;
	[bflag:$0x2] =	sbarrier.arrive $0xFFFF  }
0x66: {  	p0 =	sne.s32 s31, $0x0;
	s0 =	rddreg [dreg:$0x2]  }
0x67: {  	s0 =	sadd.s32 @!p0 $0x100000, s0  }
0x68: {  	[sflag:s0] =	ssyncadd.tile.s32 @!p0 $0x1;
	_ =	shalt  }
.Lfunc_end1:
_tile_overlayer_lowered:
.L_overlay_start_2:
0x69: {  	(tag) =	ssettag $0x2  }
0x6a: {  	s0 =	rddreg [dreg:$0x0];
	s2 =	stileid.u32  }
0x6b: {  	s1 =	rddreg [dreg:$0x1];
	p0 =	sne.s32 s2, $0x0  }
0x6c: {  	s3 =	rddreg [dreg:$0x2];
	[bflag:$0x3] =	sbarrier.arrive $0xFFFF;
	s2 =	simm.s32 @!p0 $0x1C01  }
0x6d: {  	[timem:s3], [sflag:s2] =	dma.local @!p0 [hbm:s0], s1  }
0x6e: {  	s0 =	simm.s32 @!p0 $0x1  }
0x6f: {  	_ =	swait.ge @!p0 [sflag:s0], s1  }
0x70: {  	s1 =	ssub.s32 @!p0 $0x0, s1;
	[sflag:s0] =	ssyncset.done @!p0 $0x0  }
0x71: {  	[sflag:s0] =	ssyncadd.s32 @!p0 s1  }
0x72: {  	[bflag:$0x3] =	sbarrier.arrive $0xFFFF  }
0x73: {  	_ =	shalt  }

</sc_bundles>
